<compile_context>
chip_gen: v7x
topology: tpu7x:2x2x1
jax: 0.10.2.dev20260603
libtpu: 0.0.44.dev20260713+nightly
codegen_flags: <defaults>
</compile_context>

<pallas_src>
import functools

import jax
import jax.numpy as jnp
from jax import lax
from jax.experimental import pallas as pl
from jax.experimental.pallas import tpu as pltpu
from jax.experimental.pallas import tpu_sc as plsc

N_NODES = 10000
N_EDGES = 320000
D = 128

NC = 2
NS = 16
NW = NC * NS
CHUNK = 128
N_CHUNKS = 78
E_MAIN = CHUNK * N_CHUNKS
EXTRA_BASE = NW * E_MAIN
SLAB = 624
TAIL = N_NODES - NS * SLAB
NROW = 3
NIDX = 4


def _sc_aggregate(h, edge_index, zeros):
    mesh = plsc.VectorSubcoreMesh(core_axis_name="c", subcore_axis_name="s")

    @functools.partial(
        pl.kernel,
        out_type=jax.ShapeDtypeStruct((NC, N_NODES, D), jnp.float32),
        mesh=mesh,
        scratch_types=[
            pltpu.VMEM((2 * NIDX, CHUNK), jnp.int32),
            pltpu.VMEM((NROW, CHUNK, D), jnp.float32),
            pltpu.VMEM_SHARED((N_NODES, D), jnp.float32),
            pltpu.SemaphoreType.DMA,
            pltpu.SemaphoreType.DMA,
            pltpu.SemaphoreType.DMA,
            pltpu.SemaphoreType.DMA,
        ],
    )
    def agg(h_hbm, e_hbm, zeros_hbm, out_hbm,
            idx_v, rows_v, acc, sem_cs, sem_cd, sem_g, sem_s):
        c = lax.axis_index("c")
        s = lax.axis_index("s")
        wid = c * NS + s
        base = wid * E_MAIN

        def copy_s(j):
            return pltpu.make_async_copy(
                e_hbm.at[0, pl.ds(base + j * CHUNK, CHUNK)],
                idx_v.at[lax.rem(j, NIDX)], sem_cs)

        def copy_d(j):
            return pltpu.make_async_copy(
                e_hbm.at[1, pl.ds(base + j * CHUNK, CHUNK)],
                idx_v.at[NIDX + lax.rem(j, NIDX)], sem_cd)

        def gather(j):
            return pltpu.make_async_copy(
                h_hbm.at[idx_v.at[lax.rem(j, NIDX)]],
                rows_v.at[lax.rem(j, NROW)], sem_g)

        def scatter(j):
            return pltpu.make_async_copy(
                rows_v.at[lax.rem(j, NROW)],
                acc.at[idx_v.at[NIDX + lax.rem(j, NIDX)]], sem_s)

        for j in range(3):
            pltpu.sync_copy(e_hbm.at[0, pl.ds(base + j * CHUNK, CHUNK)],
                            idx_v.at[j])
            pltpu.sync_copy(e_hbm.at[1, pl.ds(base + j * CHUNK, CHUNK)],
                            idx_v.at[NIDX + j])
        gather(0).start()
        gather(1).start()

        pltpu.sync_copy(zeros_hbm.at[pl.ds(0, SLAB)],
                        acc.at[pl.ds(s * SLAB, SLAB)])

        @pl.when(s == NS - 1)
        def _():
            pltpu.sync_copy(zeros_hbm.at[pl.ds(0, TAIL)],
                            acc.at[pl.ds(NS * SLAB, TAIL)])

        plsc.subcore_barrier()

        def body(i, carry):
            @pl.when(i >= 1)
            def _():
                scatter(i - 1).wait()

            @pl.when(i + 3 < N_CHUNKS)
            def _():
                copy_s(i + 3).start()
                copy_d(i + 3).start()

            @pl.when(jnp.logical_and(i + 2 >= 3, i + 2 < N_CHUNKS))
            def _():
                copy_s(i + 2).wait()
                copy_d(i + 2).wait()

            gather(i).wait()

            @pl.when(i + 2 < N_CHUNKS)
            def _():
                gather(i + 2).start()

            pltpu.async_copy(rows_v.at[lax.rem(i, NROW)],
                             acc.at[idx_v.at[NIDX + lax.rem(i, NIDX)]],
                             sem_s, add=True)
            return carry

        lax.fori_loop(0, N_CHUNKS, body, 0)
        scatter(N_CHUNKS - 1).wait()

        @pl.when(s < 2)
        def _():
            ebase = EXTRA_BASE + (c * 2 + s) * CHUNK
            pltpu.sync_copy(e_hbm.at[0, pl.ds(ebase, CHUNK)], idx_v.at[0])
            pltpu.sync_copy(e_hbm.at[1, pl.ds(ebase, CHUNK)],
                            idx_v.at[NIDX])
            pltpu.async_copy(h_hbm.at[idx_v.at[0]], rows_v.at[0],
                             sem_g).wait()
            pltpu.async_copy(rows_v.at[0], acc.at[idx_v.at[NIDX]],
                             sem_s, add=True)
            scatter(0).wait()

        plsc.subcore_barrier()

        pltpu.sync_copy(acc.at[pl.ds(s * SLAB, SLAB)],
                        out_hbm.at[c, pl.ds(s * SLAB, SLAB)])

        @pl.when(s == NS - 1)
        def _():
            pltpu.sync_copy(acc.at[pl.ds(NS * SLAB, TAIL)],
                            out_hbm.at[c, pl.ds(NS * SLAB, TAIL)])

    return agg(h, edge_index, zeros)


def _tc_linear(partials, W, b):
    BLK = 2000
    grid = N_NODES // BLK

    def body(p0_ref, p1_ref, w_ref, b_ref, out_ref):
        ah = p0_ref[0] + p1_ref[0]
        out_ref[...] = jnp.maximum(
            jnp.dot(ah, w_ref[...], preferred_element_type=jnp.float32)
            + b_ref[...], 0.0)

    return pl.pallas_call(
        body,
        grid=(grid,),
        in_specs=[
            pl.BlockSpec((1, BLK, D), lambda i: (0, i, 0)),
            pl.BlockSpec((1, BLK, D), lambda i: (1, i, 0)),
            pl.BlockSpec((D, D), lambda i: (0, 0)),
            pl.BlockSpec((1, D), lambda i: (0, 0)),
        ],
        out_specs=pl.BlockSpec((BLK, D), lambda i: (i, 0)),
        out_shape=jax.ShapeDtypeStruct((N_NODES, D), jnp.float32),
    )(partials, partials, W, b)


def kernel(h, edge_index, W, b):
    ei = edge_index.astype(jnp.int32)
    zeros = jnp.zeros((SLAB, D), jnp.float32)
    partials = _sc_aggregate(h, ei, zeros)
    return _tc_linear(partials, W, b.reshape(1, D))

# --- scband reference (transcript-rebuilt; emitter-appended) ---
"""Pipeline reference for scband-graph-sagelayer-13039520710794 (READ-ONLY COPY).

The authoritative reference and input builder live on the scoring server;
editing this copy changes nothing except your own understanding.
"""

import jax, jax.numpy as jnp
import numpy as np

N_NODES = 10000
N_EDGES = 320000
D_IN = 128
D_OUT = 128


def setup_inputs(seed: int = 0) -> dict:
    key = jax.random.key(seed)
    k1, k2, k3, k4 = jax.random.split(key, 4)
    h = jax.random.normal(k1, (N_NODES, D_IN), dtype=jnp.float32)
    edge_index = jax.random.randint(k2, (2, N_EDGES), 0, N_NODES, dtype=jnp.int64)
    stdv = 1.0 / np.sqrt(D_IN)
    # torch Linear weight is [out, in]; store as [in, out] for jax matmul
    W = jax.random.uniform(k3, (D_IN, D_OUT), dtype=jnp.float32, minval=-stdv, maxval=stdv)
    b = jax.random.uniform(k4, (D_OUT,), dtype=jnp.float32, minval=-stdv, maxval=stdv)
    return {"h": h, "edge_index": edge_index, "W": W, "b": b}


def reference(h, edge_index, W, b):
    # DGL update_all(copy_src, sum): message = h[src], aggregated by sum at dst
    src = edge_index[0]
    dst = edge_index[1]
    msgs = jnp.take(h, src, axis=0)
    ah = jax.ops.segment_sum(msgs, dst, num_segments=h.shape[0])
    out = jnp.maximum(ah @ W + b, 0.0)
    return out

if __name__ == "__main__":
    import jax
    _d = setup_inputs()
    print(jax.jit(kernel)(*tuple(_d.values())))

</pallas_src>

<mosaic_0001>
#map = affine_map<(d0, d1) -> (0, 0)>
#map1 = affine_map<(d0, d1) -> (0, 0, 0)>
module attributes {stable_mosaic.version = 14 : i64} {
  func.func @agg(%arg0: i32, %arg1: i32, %arg2: memref<10000x128xf32, #tpu.memory_space<hbm>>, %arg3: memref<2x320000xi32, #tpu.memory_space<hbm>>, %arg4: memref<624x128xf32, #tpu.memory_space<hbm>>, %arg5: memref<2x10000x128xf32, #tpu.memory_space<hbm>>, %arg6: memref<8x128xi32, #tpu.memory_space<vmem>>, %arg7: memref<3x128x128xf32, #tpu.memory_space<vmem>>, %arg8: memref<10000x128xf32, #tpu.memory_space<vmem_shared>>, %arg9: memref<!tpu.dma_semaphore, #tpu.memory_space<semaphore_mem>>, %arg10: memref<!tpu.dma_semaphore, #tpu.memory_space<semaphore_mem>>, %arg11: memref<!tpu.dma_semaphore, #tpu.memory_space<semaphore_mem>>, %arg12: memref<!tpu.dma_semaphore, #tpu.memory_space<semaphore_mem>>) attributes {dimension_semantics = [#tpu.dimension_semantics<core_parallel>, #tpu.dimension_semantics<subcore_parallel>], iteration_bounds = array<i64: 2, 16>, scalar_prefetch = 0 : i64, scratch_operands = 7 : i64, tpu.core_type = #tpu.core_type<sc_vector_subcore>, window_params = [{transform_indices = #map}, {transform_indices = #map}, {transform_indices = #map}, {transform_indices = #map1}]} {
    %mul3A = arith.constant 16 : i32
    %mul3A_0 = arith.muli %arg0, %mul3A : i32
    %add3A = arith.addi %mul3A_0, %arg1 : i32
    %mul3A_1 = arith.constant 9984 : i32
    %mul3A_2 = arith.muli %add3A, %mul3A_1 : i32
    %add3A_3 = arith.constant 0 : i32
    %add3A_4 = arith.addi %mul3A_2, %add3A_3 : i32
    %run_scoped3A = arith.constant 0 : i32
    %run_scoped3A_5 = arith.constant 0 : i32
    "tpu.region"() ({
      %run_scoped3A_96 = tpu.sem_alloc : memref<!tpu.dma_semaphore, #tpu.memory_space<semaphore_mem>>
      %dma_start3A_97 = arith.constant 0 : i32
      %dma_start3A_98 = tpu.memref_slice %arg6[%run_scoped3A_5, %dma_start3A_97] : memref<8x128xi32, #tpu.memory_space<vmem>> -> memref<1x128xi32, #tpu.memory_space<vmem>>
      %dma_start3A_99 = tpu.memref_squeeze %dma_start3A_98 : memref<1x128xi32, #tpu.memory_space<vmem>> -> memref<128xi32, #tpu.memory_space<vmem>>
      %dma_start3A_100 = tpu.memref_slice %arg3[%run_scoped3A, %add3A_4] : memref<2x320000xi32, #tpu.memory_space<hbm>> -> memref<1x128xi32, #tpu.memory_space<hbm>>
      %dma_start3A_101 = tpu.memref_squeeze %dma_start3A_100 : memref<1x128xi32, #tpu.memory_space<hbm>> -> memref<128xi32, #tpu.memory_space<hbm>>
      %dma_start3A_102 = arith.constant 0 : i32
      %dma_start3A_103 = tpu.memref_slice %arg6[%run_scoped3A_5, %dma_start3A_102] : memref<8x128xi32, #tpu.memory_space<vmem>> -> memref<1x128xi32, #tpu.memory_space<vmem>>
      %dma_start3A_104 = tpu.memref_squeeze %dma_start3A_103 : memref<1x128xi32, #tpu.memory_space<vmem>> -> memref<128xi32, #tpu.memory_space<vmem>>
      %dma_start3A_105 = tpu.memref_slice %arg3[%run_scoped3A, %add3A_4] : memref<2x320000xi32, #tpu.memory_space<hbm>> -> memref<1x128xi32, #tpu.memory_space<hbm>>
      %dma_start3A_106 = tpu.memref_squeeze %dma_start3A_105 : memref<1x128xi32, #tpu.memory_space<hbm>> -> memref<128xi32, #tpu.memory_space<hbm>>
      tpu.enqueue_dma source(%dma_start3A_106 : memref<128xi32, #tpu.memory_space<hbm>>) target(%dma_start3A_104 : memref<128xi32, #tpu.memory_space<vmem>>) target_semaphore(%run_scoped3A_96 : memref<!tpu.dma_semaphore, #tpu.memory_space<semaphore_mem>>)
      %dma_wait3A_107 = arith.constant 0 : i32
      %dma_wait3A_108 = tpu.memref_slice %arg6[%run_scoped3A_5, %dma_wait3A_107] : memref<8x128xi32, #tpu.memory_space<vmem>> -> memref<1x128xi32, #tpu.memory_space<vmem>>
      %dma_wait3A_109 = tpu.memref_squeeze %dma_wait3A_108 : memref<1x128xi32, #tpu.memory_space<vmem>> -> memref<128xi32, #tpu.memory_space<vmem>>
      %dma_wait3A_110 = tpu.memref_slice %arg3[%run_scoped3A, %add3A_4] : memref<2x320000xi32, #tpu.memory_space<hbm>> -> memref<1x128xi32, #tpu.memory_space<hbm>>
      %dma_wait3A_111 = tpu.memref_squeeze %dma_wait3A_110 : memref<1x128xi32, #tpu.memory_space<hbm>> -> memref<128xi32, #tpu.memory_space<hbm>>
      %dma_wait3A_112 = arith.constant 0 : i32
      %dma_wait3A_113 = tpu.memref_slice %arg6[%run_scoped3A_5, %dma_wait3A_112] : memref<8x128xi32, #tpu.memory_space<vmem>> -> memref<1x128xi32, #tpu.memory_space<vmem>>
      %dma_wait3A_114 = tpu.memref_squeeze %dma_wait3A_113 : memref<1x128xi32, #tpu.memory_space<vmem>> -> memref<128xi32, #tpu.memory_space<vmem>>
      %dma_wait3A_115 = tpu.memref_slice %arg3[%run_scoped3A, %add3A_4] : memref<2x320000xi32, #tpu.memory_space<hbm>> -> memref<1x128xi32, #tpu.memory_space<hbm>>
      %dma_wait3A_116 = tpu.memref_squeeze %dma_wait3A_115 : memref<1x128xi32, #tpu.memory_space<hbm>> -> memref<128xi32, #tpu.memory_space<hbm>>
      tpu.wait_dma2 semaphore(%run_scoped3A_96 : memref<!tpu.dma_semaphore, #tpu.memory_space<semaphore_mem>>) src(%dma_wait3A_116 : memref<128xi32, #tpu.memory_space<hbm>>) dst(%dma_wait3A_114 : memref<128xi32, #tpu.memory_space<vmem>>)
      tpu.yield
    }) : () -> ()
    %add3A_6 = arith.constant 0 : i32
    %add3A_7 = arith.addi %mul3A_2, %add3A_6 : i32
    %run_scoped3A_8 = arith.constant 1 : i32
    %run_scoped3A_9 = arith.constant 4 : i32
    "tpu.region"() ({
      %run_scoped3A_96 = tpu.sem_alloc : memref<!tpu.dma_semaphore, #tpu.memory_space<semaphore_mem>>
      %dma_start3A_97 = arith.constant 0 : i32
      %dma_start3A_98 = tpu.memref_slice %arg6[%run_scoped3A_9, %dma_start3A_97] : memref<8x128xi32, #tpu.memory_space<vmem>> -> memref<1x128xi32, #tpu.memory_space<vmem>>
      %dma_start3A_99 = tpu.memref_squeeze %dma_start3A_98 : memref<1x128xi32, #tpu.memory_space<vmem>> -> memref<128xi32, #tpu.memory_space<vmem>>
      %dma_start3A_100 = tpu.memref_slice %arg3[%run_scoped3A_8, %add3A_7] : memref<2x320000xi32, #tpu.memory_space<hbm>> -> memref<1x128xi32, #tpu.memory_space<hbm>>
      %dma_start3A_101 = tpu.memref_squeeze %dma_start3A_100 : memref<1x128xi32, #tpu.memory_space<hbm>> -> memref<128xi32, #tpu.memory_space<hbm>>
      %dma_start3A_102 = arith.constant 0 : i32
      %dma_start3A_103 = tpu.memref_slice %arg6[%run_scoped3A_9, %dma_start3A_102] : memref<8x128xi32, #tpu.memory_space<vmem>> -> memref<1x128xi32, #tpu.memory_space<vmem>>
      %dma_start3A_104 = tpu.memref_squeeze %dma_start3A_103 : memref<1x128xi32, #tpu.memory_space<vmem>> -> memref<128xi32, #tpu.memory_space<vmem>>
      %dma_start3A_105 = tpu.memref_slice %arg3[%run_scoped3A_8, %add3A_7] : memref<2x320000xi32, #tpu.memory_space<hbm>> -> memref<1x128xi32, #tpu.memory_space<hbm>>
      %dma_start3A_106 = tpu.memref_squeeze %dma_start3A_105 : memref<1x128xi32, #tpu.memory_space<hbm>> -> memref<128xi32, #tpu.memory_space<hbm>>
      tpu.enqueue_dma source(%dma_start3A_106 : memref<128xi32, #tpu.memory_space<hbm>>) target(%dma_start3A_104 : memref<128xi32, #tpu.memory_space<vmem>>) target_semaphore(%run_scoped3A_96 : memref<!tpu.dma_semaphore, #tpu.memory_space<semaphore_mem>>)
      %dma_wait3A_107 = arith.constant 0 : i32
      %dma_wait3A_108 = tpu.memref_slice %arg6[%run_scoped3A_9, %dma_wait3A_107] : memref<8x128xi32, #tpu.memory_space<vmem>> -> memref<1x128xi32, #tpu.memory_space<vmem>>
      %dma_wait3A_109 = tpu.memref_squeeze %dma_wait3A_108 : memref<1x128xi32, #tpu.memory_space<vmem>> -> memref<128xi32, #tpu.memory_space<vmem>>
      %dma_wait3A_110 = tpu.memref_slice %arg3[%run_scoped3A_8, %add3A_7] : memref<2x320000xi32, #tpu.memory_space<hbm>> -> memref<1x128xi32, #tpu.memory_space<hbm>>
      %dma_wait3A_111 = tpu.memref_squeeze %dma_wait3A_110 : memref<1x128xi32, #tpu.memory_space<hbm>> -> memref<128xi32, #tpu.memory_space<hbm>>
      %dma_wait3A_112 = arith.constant 0 : i32
      %dma_wait3A_113 = tpu.memref_slice %arg6[%run_scoped3A_9, %dma_wait3A_112] : memref<8x128xi32, #tpu.memory_space<vmem>> -> memref<1x128xi32, #tpu.memory_space<vmem>>
      %dma_wait3A_114 = tpu.memref_squeeze %dma_wait3A_113 : memref<1x128xi32, #tpu.memory_space<vmem>> -> memref<128xi32, #tpu.memory_space<vmem>>
      %dma_wait3A_115 = tpu.memref_slice %arg3[%run_scoped3A_8, %add3A_7] : memref<2x320000xi32, #tpu.memory_space<hbm>> -> memref<1x128xi32, #tpu.memory_space<hbm>>
      %dma_wait3A_116 = tpu.memref_squeeze %dma_wait3A_115 : memref<1x128xi32, #tpu.memory_space<hbm>> -> memref<128xi32, #tpu.memory_space<hbm>>
      tpu.wait_dma2 semaphore(%run_scoped3A_96 : memref<!tpu.dma_semaphore, #tpu.memory_space<semaphore_mem>>) src(%dma_wait3A_116 : memref<128xi32, #tpu.memory_space<hbm>>) dst(%dma_wait3A_114 : memref<128xi32, #tpu.memory_space<vmem>>)
      tpu.yield
    }) : () -> ()
    %add3A_10 = arith.constant 128 : i32
    %add3A_11 = arith.addi %mul3A_2, %add3A_10 : i32
    %run_scoped3A_12 = arith.constant 0 : i32
    %run_scoped3A_13 = arith.constant 1 : i32
    "tpu.region"() ({
      %run_scoped3A_96 = tpu.sem_alloc : memref<!tpu.dma_semaphore, #tpu.memory_space<semaphore_mem>>
      %dma_start3A_97 = arith.constant 0 : i32
      %dma_start3A_98 = tpu.memref_slice %arg6[%run_scoped3A_13, %dma_start3A_97] : memref<8x128xi32, #tpu.memory_space<vmem>> -> memref<1x128xi32, #tpu.memory_space<vmem>>
      %dma_start3A_99 = tpu.memref_squeeze %dma_start3A_98 : memref<1x128xi32, #tpu.memory_space<vmem>> -> memref<128xi32, #tpu.memory_space<vmem>>
      %dma_start3A_100 = tpu.memref_slice %arg3[%run_scoped3A_12, %add3A_11] : memref<2x320000xi32, #tpu.memory_space<hbm>> -> memref<1x128xi32, #tpu.memory_space<hbm>>
      %dma_start3A_101 = tpu.memref_squeeze %dma_start3A_100 : memref<1x128xi32, #tpu.memory_space<hbm>> -> memref<128xi32, #tpu.memory_space<hbm>>
      %dma_start3A_102 = arith.constant 0 : i32
      %dma_start3A_103 = tpu.memref_slice %arg6[%run_scoped3A_13, %dma_start3A_102] : memref<8x128xi32, #tpu.memory_space<vmem>> -> memref<1x128xi32, #tpu.memory_space<vmem>>
      %dma_start3A_104 = tpu.memref_squeeze %dma_start3A_103 : memref<1x128xi32, #tpu.memory_space<vmem>> -> memref<128xi32, #tpu.memory_space<vmem>>
      %dma_start3A_105 = tpu.memref_slice %arg3[%run_scoped3A_12, %add3A_11] : memref<2x320000xi32, #tpu.memory_space<hbm>> -> memref<1x128xi32, #tpu.memory_space<hbm>>
      %dma_start3A_106 = tpu.memref_squeeze %dma_start3A_105 : memref<1x128xi32, #tpu.memory_space<hbm>> -> memref<128xi32, #tpu.memory_space<hbm>>
      tpu.enqueue_dma source(%dma_start3A_106 : memref<128xi32, #tpu.memory_space<hbm>>) target(%dma_start3A_104 : memref<128xi32, #tpu.memory_space<vmem>>) target_semaphore(%run_scoped3A_96 : memref<!tpu.dma_semaphore, #tpu.memory_space<semaphore_mem>>)
      %dma_wait3A_107 = arith.constant 0 : i32
      %dma_wait3A_108 = tpu.memref_slice %arg6[%run_scoped3A_13, %dma_wait3A_107] : memref<8x128xi32, #tpu.memory_space<vmem>> -> memref<1x128xi32, #tpu.memory_space<vmem>>
      %dma_wait3A_109 = tpu.memref_squeeze %dma_wait3A_108 : memref<1x128xi32, #tpu.memory_space<vmem>> -> memref<128xi32, #tpu.memory_space<vmem>>
      %dma_wait3A_110 = tpu.memref_slice %arg3[%run_scoped3A_12, %add3A_11] : memref<2x320000xi32, #tpu.memory_space<hbm>> -> memref<1x128xi32, #tpu.memory_space<hbm>>
      %dma_wait3A_111 = tpu.memref_squeeze %dma_wait3A_110 : memref<1x128xi32, #tpu.memory_space<hbm>> -> memref<128xi32, #tpu.memory_space<hbm>>
      %dma_wait3A_112 = arith.constant 0 : i32
      %dma_wait3A_113 = tpu.memref_slice %arg6[%run_scoped3A_13, %dma_wait3A_112] : memref<8x128xi32, #tpu.memory_space<vmem>> -> memref<1x128xi32, #tpu.memory_space<vmem>>
      %dma_wait3A_114 = tpu.memref_squeeze %dma_wait3A_113 : memref<1x128xi32, #tpu.memory_space<vmem>> -> memref<128xi32, #tpu.memory_space<vmem>>
      %dma_wait3A_115 = tpu.memref_slice %arg3[%run_scoped3A_12, %add3A_11] : memref<2x320000xi32, #tpu.memory_space<hbm>> -> memref<1x128xi32, #tpu.memory_space<hbm>>
      %dma_wait3A_116 = tpu.memref_squeeze %dma_wait3A_115 : memref<1x128xi32, #tpu.memory_space<hbm>> -> memref<128xi32, #tpu.memory_space<hbm>>
      tpu.wait_dma2 semaphore(%run_scoped3A_96 : memref<!tpu.dma_semaphore, #tpu.memory_space<semaphore_mem>>) src(%dma_wait3A_116 : memref<128xi32, #tpu.memory_space<hbm>>) dst(%dma_wait3A_114 : memref<128xi32, #tpu.memory_space<vmem>>)
      tpu.yield
    }) : () -> ()
    %add3A_14 = arith.constant 128 : i32
    %add3A_15 = arith.addi %mul3A_2, %add3A_14 : i32
    %run_scoped3A_16 = arith.constant 1 : i32
    %run_scoped3A_17 = arith.constant 5 : i32
    "tpu.region"() ({
      %run_scoped3A_96 = tpu.sem_alloc : memref<!tpu.dma_semaphore, #tpu.memory_space<semaphore_mem>>
      %dma_start3A_97 = arith.constant 0 : i32
      %dma_start3A_98 = tpu.memref_slice %arg6[%run_scoped3A_17, %dma_start3A_97] : memref<8x128xi32, #tpu.memory_space<vmem>> -> memref<1x128xi32, #tpu.memory_space<vmem>>
      %dma_start3A_99 = tpu.memref_squeeze %dma_start3A_98 : memref<1x128xi32, #tpu.memory_space<vmem>> -> memref<128xi32, #tpu.memory_space<vmem>>
      %dma_start3A_100 = tpu.memref_slice %arg3[%run_scoped3A_16, %add3A_15] : memref<2x320000xi32, #tpu.memory_space<hbm>> -> memref<1x128xi32, #tpu.memory_space<hbm>>
      %dma_start3A_101 = tpu.memref_squeeze %dma_start3A_100 : memref<1x128xi32, #tpu.memory_space<hbm>> -> memref<128xi32, #tpu.memory_space<hbm>>
      %dma_start3A_102 = arith.constant 0 : i32
      %dma_start3A_103 = tpu.memref_slice %arg6[%run_scoped3A_17, %dma_start3A_102] : memref<8x128xi32, #tpu.memory_space<vmem>> -> memref<1x128xi32, #tpu.memory_space<vmem>>
      %dma_start3A_104 = tpu.memref_squeeze %dma_start3A_103 : memref<1x128xi32, #tpu.memory_space<vmem>> -> memref<128xi32, #tpu.memory_space<vmem>>
      %dma_start3A_105 = tpu.memref_slice %arg3[%run_scoped3A_16, %add3A_15] : memref<2x320000xi32, #tpu.memory_space<hbm>> -> memref<1x128xi32, #tpu.memory_space<hbm>>
      %dma_start3A_106 = tpu.memref_squeeze %dma_start3A_105 : memref<1x128xi32, #tpu.memory_space<hbm>> -> memref<128xi32, #tpu.memory_space<hbm>>
      tpu.enqueue_dma source(%dma_start3A_106 : memref<128xi32, #tpu.memory_space<hbm>>) target(%dma_start3A_104 : memref<128xi32, #tpu.memory_space<vmem>>) target_semaphore(%run_scoped3A_96 : memref<!tpu.dma_semaphore, #tpu.memory_space<semaphore_mem>>)
      %dma_wait3A_107 = arith.constant 0 : i32
      %dma_wait3A_108 = tpu.memref_slice %arg6[%run_scoped3A_17, %dma_wait3A_107] : memref<8x128xi32, #tpu.memory_space<vmem>> -> memref<1x128xi32, #tpu.memory_space<vmem>>
      %dma_wait3A_109 = tpu.memref_squeeze %dma_wait3A_108 : memref<1x128xi32, #tpu.memory_space<vmem>> -> memref<128xi32, #tpu.memory_space<vmem>>
      %dma_wait3A_110 = tpu.memref_slice %arg3[%run_scoped3A_16, %add3A_15] : memref<2x320000xi32, #tpu.memory_space<hbm>> -> memref<1x128xi32, #tpu.memory_space<hbm>>
      %dma_wait3A_111 = tpu.memref_squeeze %dma_wait3A_110 : memref<1x128xi32, #tpu.memory_space<hbm>> -> memref<128xi32, #tpu.memory_space<hbm>>
      %dma_wait3A_112 = arith.constant 0 : i32
      %dma_wait3A_113 = tpu.memref_slice %arg6[%run_scoped3A_17, %dma_wait3A_112] : memref<8x128xi32, #tpu.memory_space<vmem>> -> memref<1x128xi32, #tpu.memory_space<vmem>>
      %dma_wait3A_114 = tpu.memref_squeeze %dma_wait3A_113 : memref<1x128xi32, #tpu.memory_space<vmem>> -> memref<128xi32, #tpu.memory_space<vmem>>
      %dma_wait3A_115 = tpu.memref_slice %arg3[%run_scoped3A_16, %add3A_15] : memref<2x320000xi32, #tpu.memory_space<hbm>> -> memref<1x128xi32, #tpu.memory_space<hbm>>
      %dma_wait3A_116 = tpu.memref_squeeze %dma_wait3A_115 : memref<1x128xi32, #tpu.memory_space<hbm>> -> memref<128xi32, #tpu.memory_space<hbm>>
      tpu.wait_dma2 semaphore(%run_scoped3A_96 : memref<!tpu.dma_semaphore, #tpu.memory_space<semaphore_mem>>) src(%dma_wait3A_116 : memref<128xi32, #tpu.memory_space<hbm>>) dst(%dma_wait3A_114 : memref<128xi32, #tpu.memory_space<vmem>>)
      tpu.yield
    }) : () -> ()
    %add3A_18 = arith.constant 256 : i32
    %add3A_19 = arith.addi %mul3A_2, %add3A_18 : i32
    %run_scoped3A_20 = arith.constant 0 : i32
    %run_scoped3A_21 = arith.constant 2 : i32
    "tpu.region"() ({
      %run_scoped3A_96 = tpu.sem_alloc : memref<!tpu.dma_semaphore, #tpu.memory_space<semaphore_mem>>
      %dma_start3A_97 = arith.constant 0 : i32
      %dma_start3A_98 = tpu.memref_slice %arg6[%run_scoped3A_21, %dma_start3A_97] : memref<8x128xi32, #tpu.memory_space<vmem>> -> memref<1x128xi32, #tpu.memory_space<vmem>>
      %dma_start3A_99 = tpu.memref_squeeze %dma_start3A_98 : memref<1x128xi32, #tpu.memory_space<vmem>> -> memref<128xi32, #tpu.memory_space<vmem>>
      %dma_start3A_100 = tpu.memref_slice %arg3[%run_scoped3A_20, %add3A_19] : memref<2x320000xi32, #tpu.memory_space<hbm>> -> memref<1x128xi32, #tpu.memory_space<hbm>>
      %dma_start3A_101 = tpu.memref_squeeze %dma_start3A_100 : memref<1x128xi32, #tpu.memory_space<hbm>> -> memref<128xi32, #tpu.memory_space<hbm>>
      %dma_start3A_102 = arith.constant 0 : i32
      %dma_start3A_103 = tpu.memref_slice %arg6[%run_scoped3A_21, %dma_start3A_102] : memref<8x128xi32, #tpu.memory_space<vmem>> -> memref<1x128xi32, #tpu.memory_space<vmem>>
      %dma_start3A_104 = tpu.memref_squeeze %dma_start3A_103 : memref<1x128xi32, #tpu.memory_space<vmem>> -> memref<128xi32, #tpu.memory_space<vmem>>
      %dma_start3A_105 = tpu.memref_slice %arg3[%run_scoped3A_20, %add3A_19] : memref<2x320000xi32, #tpu.memory_space<hbm>> -> memref<1x128xi32, #tpu.memory_space<hbm>>
      %dma_start3A_106 = tpu.memref_squeeze %dma_start3A_105 : memref<1x128xi32, #tpu.memory_space<hbm>> -> memref<128xi32, #tpu.memory_space<hbm>>
      tpu.enqueue_dma source(%dma_start3A_106 : memref<128xi32, #tpu.memory_space<hbm>>) target(%dma_start3A_104 : memref<128xi32, #tpu.memory_space<vmem>>) target_semaphore(%run_scoped3A_96 : memref<!tpu.dma_semaphore, #tpu.memory_space<semaphore_mem>>)
      %dma_wait3A_107 = arith.constant 0 : i32
      %dma_wait3A_108 = tpu.memref_slice %arg6[%run_scoped3A_21, %dma_wait3A_107] : memref<8x128xi32, #tpu.memory_space<vmem>> -> memref<1x128xi32, #tpu.memory_space<vmem>>
      %dma_wait3A_109 = tpu.memref_squeeze %dma_wait3A_108 : memref<1x128xi32, #tpu.memory_space<vmem>> -> memref<128xi32, #tpu.memory_space<vmem>>
      %dma_wait3A_110 = tpu.memref_slice %arg3[%run_scoped3A_20, %add3A_19] : memref<2x320000xi32, #tpu.memory_space<hbm>> -> memref<1x128xi32, #tpu.memory_space<hbm>>
      %dma_wait3A_111 = tpu.memref_squeeze %dma_wait3A_110 : memref<1x128xi32, #tpu.memory_space<hbm>> -> memref<128xi32, #tpu.memory_space<hbm>>
      %dma_wait3A_112 = arith.constant 0 : i32
      %dma_wait3A_113 = tpu.memref_slice %arg6[%run_scoped3A_21, %dma_wait3A_112] : memref<8x128xi32, #tpu.memory_space<vmem>> -> memref<1x128xi32, #tpu.memory_space<vmem>>
      %dma_wait3A_114 = tpu.memref_squeeze %dma_wait3A_113 : memref<1x128xi32, #tpu.memory_space<vmem>> -> memref<128xi32, #tpu.memory_space<vmem>>
      %dma_wait3A_115 = tpu.memref_slice %arg3[%run_scoped3A_20, %add3A_19] : memref<2x320000xi32, #tpu.memory_space<hbm>> -> memref<1x128xi32, #tpu.memory_space<hbm>>
      %dma_wait3A_116 = tpu.memref_squeeze %dma_wait3A_115 : memref<1x128xi32, #tpu.memory_space<hbm>> -> memref<128xi32, #tpu.memory_space<hbm>>
      tpu.wait_dma2 semaphore(%run_scoped3A_96 : memref<!tpu.dma_semaphore, #tpu.memory_space<semaphore_mem>>) src(%dma_wait3A_116 : memref<128xi32, #tpu.memory_space<hbm>>) dst(%dma_wait3A_114 : memref<128xi32, #tpu.memory_space<vmem>>)
      tpu.yield
    }) : () -> ()
    %add3A_22 = arith.constant 256 : i32
    %add3A_23 = arith.addi %mul3A_2, %add3A_22 : i32
    %run_scoped3A_24 = arith.constant 1 : i32
    %run_scoped3A_25 = arith.constant 6 : i32
    "tpu.region"() ({
      %run_scoped3A_96 = tpu.sem_alloc : memref<!tpu.dma_semaphore, #tpu.memory_space<semaphore_mem>>
      %dma_start3A_97 = arith.constant 0 : i32
      %dma_start3A_98 = tpu.memref_slice %arg6[%run_scoped3A_25, %dma_start3A_97] : memref<8x128xi32, #tpu.memory_space<vmem>> -> memref<1x128xi32, #tpu.memory_space<vmem>>
      %dma_start3A_99 = tpu.memref_squeeze %dma_start3A_98 : memref<1x128xi32, #tpu.memory_space<vmem>> -> memref<128xi32, #tpu.memory_space<vmem>>
      %dma_start3A_100 = tpu.memref_slice %arg3[%run_scoped3A_24, %add3A_23] : memref<2x320000xi32, #tpu.memory_space<hbm>> -> memref<1x128xi32, #tpu.memory_space<hbm>>
      %dma_start3A_101 = tpu.memref_squeeze %dma_start3A_100 : memref<1x128xi32, #tpu.memory_space<hbm>> -> memref<128xi32, #tpu.memory_space<hbm>>
      %dma_start3A_102 = arith.constant 0 : i32
      %dma_start3A_103 = tpu.memref_slice %arg6[%run_scoped3A_25, %dma_start3A_102] : memref<8x128xi32, #tpu.memory_space<vmem>> -> memref<1x128xi32, #tpu.memory_space<vmem>>
      %dma_start3A_104 = tpu.memref_squeeze %dma_start3A_103 : memref<1x128xi32, #tpu.memory_space<vmem>> -> memref<128xi32, #tpu.memory_space<vmem>>
      %dma_start3A_105 = tpu.memref_slice %arg3[%run_scoped3A_24, %add3A_23] : memref<2x320000xi32, #tpu.memory_space<hbm>> -> memref<1x128xi32, #tpu.memory_space<hbm>>
      %dma_start3A_106 = tpu.memref_squeeze %dma_start3A_105 : memref<1x128xi32, #tpu.memory_space<hbm>> -> memref<128xi32, #tpu.memory_space<hbm>>
      tpu.enqueue_dma source(%dma_start3A_106 : memref<128xi32, #tpu.memory_space<hbm>>) target(%dma_start3A_104 : memref<128xi32, #tpu.memory_space<vmem>>) target_semaphore(%run_scoped3A_96 : memref<!tpu.dma_semaphore, #tpu.memory_space<semaphore_mem>>)
      %dma_wait3A_107 = arith.constant 0 : i32
      %dma_wait3A_108 = tpu.memref_slice %arg6[%run_scoped3A_25, %dma_wait3A_107] : memref<8x128xi32, #tpu.memory_space<vmem>> -> memref<1x128xi32, #tpu.memory_space<vmem>>
      %dma_wait3A_109 = tpu.memref_squeeze %dma_wait3A_108 : memref<1x128xi32, #tpu.memory_space<vmem>> -> memref<128xi32, #tpu.memory_space<vmem>>
      %dma_wait3A_110 = tpu.memref_slice %arg3[%run_scoped3A_24, %add3A_23] : memref<2x320000xi32, #tpu.memory_space<hbm>> -> memref<1x128xi32, #tpu.memory_space<hbm>>
      %dma_wait3A_111 = tpu.memref_squeeze %dma_wait3A_110 : memref<1x128xi32, #tpu.memory_space<hbm>> -> memref<128xi32, #tpu.memory_space<hbm>>
      %dma_wait3A_112 = arith.constant 0 : i32
      %dma_wait3A_113 = tpu.memref_slice %arg6[%run_scoped3A_25, %dma_wait3A_112] : memref<8x128xi32, #tpu.memory_space<vmem>> -> memref<1x128xi32, #tpu.memory_space<vmem>>
      %dma_wait3A_114 = tpu.memref_squeeze %dma_wait3A_113 : memref<1x128xi32, #tpu.memory_space<vmem>> -> memref<128xi32, #tpu.memory_space<vmem>>
      %dma_wait3A_115 = tpu.memref_slice %arg3[%run_scoped3A_24, %add3A_23] : memref<2x320000xi32, #tpu.memory_space<hbm>> -> memref<1x128xi32, #tpu.memory_space<hbm>>
      %dma_wait3A_116 = tpu.memref_squeeze %dma_wait3A_115 : memref<1x128xi32, #tpu.memory_space<hbm>> -> memref<128xi32, #tpu.memory_space<hbm>>
      tpu.wait_dma2 semaphore(%run_scoped3A_96 : memref<!tpu.dma_semaphore, #tpu.memory_space<semaphore_mem>>) src(%dma_wait3A_116 : memref<128xi32, #tpu.memory_space<hbm>>) dst(%dma_wait3A_114 : memref<128xi32, #tpu.memory_space<vmem>>)
      tpu.yield
    }) : () -> ()
    %rem3A = arith.constant 0 : i32
    %rem3A_26 = arith.constant 4 : i32
    %rem3A_27 = arith.remsi %rem3A, %rem3A_26 : i32
    %rem3A_28 = arith.constant 0 : i32
    %rem3A_29 = arith.constant 3 : i32
    %rem3A_30 = arith.remsi %rem3A_28, %rem3A_29 : i32
    %dma_start3A = arith.constant 0 : i32
    %dma_start3A_31 = arith.constant 0 : i32
    %dma_start3A_32 = tpu.memref_slice %arg7[%rem3A_30, %dma_start3A, %dma_start3A_31] : memref<3x128x128xf32, #tpu.memory_space<vmem>> -> memref<1x128x128xf32, #tpu.memory_space<vmem>>
    %dma_start3A_33 = tpu.memref_squeeze %dma_start3A_32 : memref<1x128x128xf32, #tpu.memory_space<vmem>> -> memref<128x128xf32, #tpu.memory_space<vmem>>
    %dma_start3A_34 = arith.constant 0 : i32
    %dma_start3A_35 = tpu.memref_slice %arg6[%rem3A_27, %dma_start3A_34] : memref<8x128xi32, #tpu.memory_space<vmem>> -> memref<1x128xi32, #tpu.memory_space<vmem>>
    %dma_start3A_36 = tpu.memref_squeeze %dma_start3A_35 : memref<1x128xi32, #tpu.memory_space<vmem>> -> memref<128xi32, #tpu.memory_space<vmem>>
    %dma_start3A_37 = arith.constant 0 : i32
    %dma_start3A_38 = arith.constant 0 : i32
    %dma_start3A_39 = tpu.memref_slice %arg2[%dma_start3A_37, %dma_start3A_38] : memref<10000x128xf32, #tpu.memory_space<hbm>> -> memref<10000x128xf32, #tpu.memory_space<hbm>>
    tpu.enqueue_indirect_dma source(%dma_start3A_39 : memref<10000x128xf32, #tpu.memory_space<hbm>>) target(%dma_start3A_33 : memref<128x128xf32, #tpu.memory_space<vmem>>) offsets(%dma_start3A_36 : memref<128xi32, #tpu.memory_space<vmem>>) semaphore(%arg11 : memref<!tpu.dma_semaphore, #tpu.memory_space<semaphore_mem>>)
    %rem3A_40 = arith.constant 1 : i32
    %rem3A_41 = arith.constant 4 : i32
    %rem3A_42 = arith.remsi %rem3A_40, %rem3A_41 : i32
    %rem3A_43 = arith.constant 1 : i32
    %rem3A_44 = arith.constant 3 : i32
    %rem3A_45 = arith.remsi %rem3A_43, %rem3A_44 : i32
    %dma_start3A_46 = arith.constant 0 : i32
    %dma_start3A_47 = arith.constant 0 : i32
    %dma_start3A_48 = tpu.memref_slice %arg7[%rem3A_45, %dma_start3A_46, %dma_start3A_47] : memref<3x128x128xf32, #tpu.memory_space<vmem>> -> memref<1x128x128xf32, #tpu.memory_space<vmem>>
    %dma_start3A_49 = tpu.memref_squeeze %dma_start3A_48 : memref<1x128x128xf32, #tpu.memory_space<vmem>> -> memref<128x128xf32, #tpu.memory_space<vmem>>
    %dma_start3A_50 = arith.constant 0 : i32
    %dma_start3A_51 = tpu.memref_slice %arg6[%rem3A_42, %dma_start3A_50] : memref<8x128xi32, #tpu.memory_space<vmem>> -> memref<1x128xi32, #tpu.memory_space<vmem>>
    %dma_start3A_52 = tpu.memref_squeeze %dma_start3A_51 : memref<1x128xi32, #tpu.memory_space<vmem>> -> memref<128xi32, #tpu.memory_space<vmem>>
    %dma_start3A_53 = arith.constant 0 : i32
    %dma_start3A_54 = arith.constant 0 : i32
    %dma_start3A_55 = tpu.memref_slice %arg2[%dma_start3A_53, %dma_start3A_54] : memref<10000x128xf32, #tpu.memory_space<hbm>> -> memref<10000x128xf32, #tpu.memory_space<hbm>>
    tpu.enqueue_indirect_dma source(%dma_start3A_55 : memref<10000x128xf32, #tpu.memory_space<hbm>>) target(%dma_start3A_49 : memref<128x128xf32, #tpu.memory_space<vmem>>) offsets(%dma_start3A_52 : memref<128xi32, #tpu.memory_space<vmem>>) semaphore(%arg11 : memref<!tpu.dma_semaphore, #tpu.memory_space<semaphore_mem>>)
    %mul3A_56 = arith.constant 624 : i32
    %mul3A_57 = arith.muli %arg1, %mul3A_56 : i32
    "tpu.region"() ({
      %run_scoped3A_96 = tpu.sem_alloc : memref<!tpu.dma_semaphore, #tpu.memory_space<semaphore_mem>>
      %dma_start3A_97 = arith.constant 0 : i32
      %dma_start3A_98 = tpu.memref_slice %arg8[%mul3A_57, %dma_start3A_97] : memref<10000x128xf32, #tpu.memory_space<vmem_shared>> -> memref<624x128xf32, #tpu.memory_space<vmem_shared>>
      %dma_start3A_99 = arith.constant 0 : i32
      %dma_start3A_100 = arith.constant 0 : i32
      %dma_start3A_101 = tpu.memref_slice %arg4[%dma_start3A_99, %dma_start3A_100] : memref<624x128xf32, #tpu.memory_space<hbm>> -> memref<624x128xf32, #tpu.memory_space<hbm>>
      tpu.enqueue_dma source(%dma_start3A_101 : memref<624x128xf32, #tpu.memory_space<hbm>>) target(%dma_start3A_98 : memref<624x128xf32, #tpu.memory_space<vmem_shared>>) target_semaphore(%run_scoped3A_96 : memref<!tpu.dma_semaphore, #tpu.memory_space<semaphore_mem>>)
      %dma_wait3A_102 = arith.constant 0 : i32
      %dma_wait3A_103 = tpu.memref_slice %arg8[%mul3A_57, %dma_wait3A_102] : memref<10000x128xf32, #tpu.memory_space<vmem_shared>> -> memref<624x128xf32, #tpu.memory_space<vmem_shared>>
      %dma_wait3A_104 = arith.constant 0 : i32
      %dma_wait3A_105 = arith.constant 0 : i32
      %dma_wait3A_106 = tpu.memref_slice %arg4[%dma_wait3A_104, %dma_wait3A_105] : memref<624x128xf32, #tpu.memory_space<hbm>> -> memref<624x128xf32, #tpu.memory_space<hbm>>
      tpu.wait_dma2 semaphore(%run_scoped3A_96 : memref<!tpu.dma_semaphore, #tpu.memory_space<semaphore_mem>>) src(%dma_wait3A_106 : memref<624x128xf32, #tpu.memory_space<hbm>>) dst(%dma_wait3A_103 : memref<624x128xf32, #tpu.memory_space<vmem_shared>>)
      tpu.yield
    }) : () -> ()
    %eq3A = arith.constant 15 : i32
    %eq3A_58 = arith.cmpi eq, %arg1, %eq3A : i32
    %convert_element_type3A = arith.extui %eq3A_58 : i1 to i32
    %cond3A = arith.constant 0 : i32
    %cond3A_59 = arith.cmpi ne, %convert_element_type3A, %cond3A : i32
    scf.if %cond3A_59 {
      "tpu.region"() ({
        %run_scoped3A_96 = tpu.sem_alloc : memref<!tpu.dma_semaphore, #tpu.memory_space<semaphore_mem>>
        %dma_start3A_97 = arith.constant 9984 : i32
        %dma_start3A_98 = arith.constant 0 : i32
        %dma_start3A_99 = tpu.memref_slice %arg8[%dma_start3A_97, %dma_start3A_98] : memref<10000x128xf32, #tpu.memory_space<vmem_shared>> -> memref<16x128xf32, #tpu.memory_space<vmem_shared>>
        %dma_start3A_100 = arith.constant 0 : i32
        %dma_start3A_101 = arith.constant 0 : i32
        %dma_start3A_102 = tpu.memref_slice %arg4[%dma_start3A_100, %dma_start3A_101] : memref<624x128xf32, #tpu.memory_space<hbm>> -> memref<16x128xf32, #tpu.memory_space<hbm>>
        tpu.enqueue_dma source(%dma_start3A_102 : memref<16x128xf32, #tpu.memory_space<hbm>>) target(%dma_start3A_99 : memref<16x128xf32, #tpu.memory_space<vmem_shared>>) target_semaphore(%run_scoped3A_96 : memref<!tpu.dma_semaphore, #tpu.memory_space<semaphore_mem>>)
        %dma_wait3A_103 = arith.constant 9984 : i32
        %dma_wait3A_104 = arith.constant 0 : i32
        %dma_wait3A_105 = tpu.memref_slice %arg8[%dma_wait3A_103, %dma_wait3A_104] : memref<10000x128xf32, #tpu.memory_space<vmem_shared>> -> memref<16x128xf32, #tpu.memory_space<vmem_shared>>
        %dma_wait3A_106 = arith.constant 0 : i32
        %dma_wait3A_107 = arith.constant 0 : i32
        %dma_wait3A_108 = tpu.memref_slice %arg4[%dma_wait3A_106, %dma_wait3A_107] : memref<624x128xf32, #tpu.memory_space<hbm>> -> memref<16x128xf32, #tpu.memory_space<hbm>>
        tpu.wait_dma2 semaphore(%run_scoped3A_96 : memref<!tpu.dma_semaphore, #tpu.memory_space<semaphore_mem>>) src(%dma_wait3A_108 : memref<16x128xf32, #tpu.memory_space<hbm>>) dst(%dma_wait3A_105 : memref<16x128xf32, #tpu.memory_space<vmem_shared>>)
        tpu.yield
      }) : () -> ()
    } else {
    }
    %barrier3A = arith.constant 0 : index
    tpu.barrier barrier_id(%barrier3A)
    %scan3A = arith.constant 0 : i32
    %scan3A_60 = arith.constant 0 : i32
    %scan3A_61 = arith.constant 78 : i32
    %scan3A_62 = arith.addi %scan3A_60, %scan3A_61 : i32
    %scan3A_63 = arith.constant 1 : i32
    scf.for %scan3A_96 = %scan3A_60 to %scan3A_62 step %scan3A_63  : i32 {
      %ge3A = arith.constant 1 : i32
      %ge3A_97 = arith.cmpi sge, %scan3A_96, %ge3A : i32
      %convert_element_type3A_98 = arith.extui %ge3A_97 : i1 to i32
      %cond3A_99 = arith.constant 0 : i32
      %cond3A_100 = arith.cmpi ne, %convert_element_type3A_98, %cond3A_99 : i32
      scf.if %cond3A_100 {
        %sub3A = arith.constant 1 : i32
        %sub3A_156 = arith.subi %scan3A_96, %sub3A : i32
        %rem3A_157 = arith.constant 3 : i32
        %rem3A_158 = arith.remsi %sub3A_156, %rem3A_157 : i32
        %rem3A_159 = arith.constant 4 : i32
        %rem3A_160 = arith.remsi %sub3A_156, %rem3A_159 : i32
        %add3A_161 = arith.constant 4 : i32
        %add3A_162 = arith.addi %add3A_161, %rem3A_160 : i32
        %dma_wait3A_163 = arith.constant 0 : i32
        %dma_wait3A_164 = arith.constant 0 : i32
        %dma_wait3A_165 = tpu.memref_slice %arg7[%rem3A_158, %dma_wait3A_163, %dma_wait3A_164] : memref<3x128x128xf32, #tpu.memory_space<vmem>> -> memref<1x128x128xf32, #tpu.memory_space<vmem>>
        %dma_wait3A_166 = tpu.memref_squeeze %dma_wait3A_165 : memref<1x128x128xf32, #tpu.memory_space<vmem>> -> memref<128x128xf32, #tpu.memory_space<vmem>>
        %dma_wait3A_167 = arith.constant 0 : i32
        %dma_wait3A_168 = tpu.memref_slice %arg6[%add3A_162, %dma_wait3A_167] : memref<8x128xi32, #tpu.memory_space<vmem>> -> memref<1x128xi32, #tpu.memory_space<vmem>>
        %dma_wait3A_169 = tpu.memref_squeeze %dma_wait3A_168 : memref<1x128xi32, #tpu.memory_space<vmem>> -> memref<128xi32, #tpu.memory_space<vmem>>
        %dma_wait3A_170 = arith.constant 0 : i32
        %dma_wait3A_171 = arith.constant 0 : i32
        %dma_wait3A_172 = tpu.memref_slice %arg8[%dma_wait3A_170, %dma_wait3A_171] : memref<10000x128xf32, #tpu.memory_space<vmem_shared>> -> memref<10000x128xf32, #tpu.memory_space<vmem_shared>>
        tpu.wait_indirect_dma semaphore(%arg12 : memref<!tpu.dma_semaphore, #tpu.memory_space<semaphore_mem>>) src(%dma_wait3A_166 : memref<128x128xf32, #tpu.memory_space<vmem>>) dst(%dma_wait3A_172 : memref<10000x128xf32, #tpu.memory_space<vmem_shared>>)
      } else {
      }
      %add3A_101 = arith.constant 3 : i32
      %add3A_102 = arith.addi %scan3A_96, %add3A_101 : i32
      %lt3A_103 = arith.constant 78 : i32
      %lt3A_104 = arith.cmpi slt, %add3A_102, %lt3A_103 : i32
      %convert_element_type3A_105 = arith.extui %lt3A_104 : i1 to i32
      %cond3A_106 = arith.constant 0 : i32
      %cond3A_107 = arith.cmpi ne, %convert_element_type3A_105, %cond3A_106 : i32
      scf.if %cond3A_107 {
        %add3A_156 = arith.constant 3 : i32
        %add3A_157 = arith.addi %scan3A_96, %add3A_156 : i32
        %mul3A_158 = arith.constant 128 : i32
        %mul3A_159 = arith.muli %add3A_157, %mul3A_158 : i32
        %add3A_160 = arith.addi %mul3A_2, %mul3A_159 : i32
        %rem3A_161 = arith.constant 4 : i32
        %rem3A_162 = arith.remsi %add3A_157, %rem3A_161 : i32
        %dma_start3A_163 = arith.constant 0 : i32
        %dma_start3A_164 = arith.constant 0 : i32
        %dma_start3A_165 = tpu.memref_slice %arg6[%rem3A_162, %dma_start3A_164] : memref<8x128xi32, #tpu.memory_space<vmem>> -> memref<1x128xi32, #tpu.memory_space<vmem>>
        %dma_start3A_166 = tpu.memref_squeeze %dma_start3A_165 : memref<1x128xi32, #tpu.memory_space<vmem>> -> memref<128xi32, #tpu.memory_space<vmem>>
        %dma_start3A_167 = tpu.memref_slice %arg3[%dma_start3A_163, %add3A_160] : memref<2x320000xi32, #tpu.memory_space<hbm>> -> memref<1x128xi32, #tpu.memory_space<hbm>>
        %dma_start3A_168 = tpu.memref_squeeze %dma_start3A_167 : memref<1x128xi32, #tpu.memory_space<hbm>> -> memref<128xi32, #tpu.memory_space<hbm>>
        %dma_start3A_169 = arith.constant 0 : i32
        %dma_start3A_170 = tpu.memref_slice %arg6[%rem3A_162, %dma_start3A_169] : memref<8x128xi32, #tpu.memory_space<vmem>> -> memref<1x128xi32, #tpu.memory_space<vmem>>
        %dma_start3A_171 = tpu.memref_squeeze %dma_start3A_170 : memref<1x128xi32, #tpu.memory_space<vmem>> -> memref<128xi32, #tpu.memory_space<vmem>>
        %dma_start3A_172 = tpu.memref_slice %arg3[%dma_start3A_163, %add3A_160] : memref<2x320000xi32, #tpu.memory_space<hbm>> -> memref<1x128xi32, #tpu.memory_space<hbm>>
        %dma_start3A_173 = tpu.memref_squeeze %dma_start3A_172 : memref<1x128xi32, #tpu.memory_space<hbm>> -> memref<128xi32, #tpu.memory_space<hbm>>
        tpu.enqueue_dma source(%dma_start3A_173 : memref<128xi32, #tpu.memory_space<hbm>>) target(%dma_start3A_171 : memref<128xi32, #tpu.memory_space<vmem>>) target_semaphore(%arg9 : memref<!tpu.dma_semaphore, #tpu.memory_space<semaphore_mem>>)
        %add3A_174 = arith.constant 3 : i32
        %add3A_175 = arith.addi %scan3A_96, %add3A_174 : i32
        %mul3A_176 = arith.constant 128 : i32
        %mul3A_177 = arith.muli %add3A_175, %mul3A_176 : i32
        %add3A_178 = arith.addi %mul3A_2, %mul3A_177 : i32
        %rem3A_179 = arith.constant 4 : i32
        %rem3A_180 = arith.remsi %add3A_175, %rem3A_179 : i32
        %add3A_181 = arith.constant 4 : i32
        %add3A_182 = arith.addi %add3A_181, %rem3A_180 : i32
        %dma_start3A_183 = arith.constant 1 : i32
        %dma_start3A_184 = arith.constant 0 : i32
        %dma_start3A_185 = tpu.memref_slice %arg6[%add3A_182, %dma_start3A_184] : memref<8x128xi32, #tpu.memory_space<vmem>> -> memref<1x128xi32, #tpu.memory_space<vmem>>
        %dma_start3A_186 = tpu.memref_squeeze %dma_start3A_185 : memref<1x128xi32, #tpu.memory_space<vmem>> -> memref<128xi32, #tpu.memory_space<vmem>>
        %dma_start3A_187 = tpu.memref_slice %arg3[%dma_start3A_183, %add3A_178] : memref<2x320000xi32, #tpu.memory_space<hbm>> -> memref<1x128xi32, #tpu.memory_space<hbm>>
        %dma_start3A_188 = tpu.memref_squeeze %dma_start3A_187 : memref<1x128xi32, #tpu.memory_space<hbm>> -> memref<128xi32, #tpu.memory_space<hbm>>
        %dma_start3A_189 = arith.constant 0 : i32
        %dma_start3A_190 = tpu.memref_slice %arg6[%add3A_182, %dma_start3A_189] : memref<8x128xi32, #tpu.memory_space<vmem>> -> memref<1x128xi32, #tpu.memory_space<vmem>>
        %dma_start3A_191 = tpu.memref_squeeze %dma_start3A_190 : memref<1x128xi32, #tpu.memory_space<vmem>> -> memref<128xi32, #tpu.memory_space<vmem>>
        %dma_start3A_192 = tpu.memref_slice %arg3[%dma_start3A_183, %add3A_178] : memref<2x320000xi32, #tpu.memory_space<hbm>> -> memref<1x128xi32, #tpu.memory_space<hbm>>
        %dma_start3A_193 = tpu.memref_squeeze %dma_start3A_192 : memref<1x128xi32, #tpu.memory_space<hbm>> -> memref<128xi32, #tpu.memory_space<hbm>>
        tpu.enqueue_dma source(%dma_start3A_193 : memref<128xi32, #tpu.memory_space<hbm>>) target(%dma_start3A_191 : memref<128xi32, #tpu.memory_space<vmem>>) target_semaphore(%arg10 : memref<!tpu.dma_semaphore, #tpu.memory_space<semaphore_mem>>)
      } else {
      }
      %add3A_108 = arith.constant 2 : i32
      %add3A_109 = arith.addi %scan3A_96, %add3A_108 : i32
      %ge3A_110 = arith.constant 3 : i32
      %ge3A_111 = arith.cmpi sge, %add3A_109, %ge3A_110 : i32
      %add3A_112 = arith.constant 2 : i32
      %add3A_113 = arith.addi %scan3A_96, %add3A_112 : i32
      %lt3A_114 = arith.constant 78 : i32
      %lt3A_115 = arith.cmpi slt, %add3A_113, %lt3A_114 : i32
      %and3A = arith.andi %ge3A_111, %lt3A_115 : i1
      %convert_element_type3A_116 = arith.extui %and3A : i1 to i32
      %cond3A_117 = arith.constant 0 : i32
      %cond3A_118 = arith.cmpi ne, %convert_element_type3A_116, %cond3A_117 : i32
      scf.if %cond3A_118 {
        %add3A_156 = arith.constant 2 : i32
        %add3A_157 = arith.addi %scan3A_96, %add3A_156 : i32
        %mul3A_158 = arith.constant 128 : i32
        %mul3A_159 = arith.muli %add3A_157, %mul3A_158 : i32
        %add3A_160 = arith.addi %mul3A_2, %mul3A_159 : i32
        %rem3A_161 = arith.constant 4 : i32
        %rem3A_162 = arith.remsi %add3A_157, %rem3A_161 : i32
        %dma_wait3A_163 = arith.constant 0 : i32
        %dma_wait3A_164 = arith.constant 0 : i32
        %dma_wait3A_165 = tpu.memref_slice %arg6[%rem3A_162, %dma_wait3A_164] : memref<8x128xi32, #tpu.memory_space<vmem>> -> memref<1x128xi32, #tpu.memory_space<vmem>>
        %dma_wait3A_166 = tpu.memref_squeeze %dma_wait3A_165 : memref<1x128xi32, #tpu.memory_space<vmem>> -> memref<128xi32, #tpu.memory_space<vmem>>
        %dma_wait3A_167 = tpu.memref_slice %arg3[%dma_wait3A_163, %add3A_160] : memref<2x320000xi32, #tpu.memory_space<hbm>> -> memref<1x128xi32, #tpu.memory_space<hbm>>
        %dma_wait3A_168 = tpu.memref_squeeze %dma_wait3A_167 : memref<1x128xi32, #tpu.memory_space<hbm>> -> memref<128xi32, #tpu.memory_space<hbm>>
        %dma_wait3A_169 = arith.constant 0 : i32
        %dma_wait3A_170 = tpu.memref_slice %arg6[%rem3A_162, %dma_wait3A_169] : memref<8x128xi32, #tpu.memory_space<vmem>> -> memref<1x128xi32, #tpu.memory_space<vmem>>
        %dma_wait3A_171 = tpu.memref_squeeze %dma_wait3A_170 : memref<1x128xi32, #tpu.memory_space<vmem>> -> memref<128xi32, #tpu.memory_space<vmem>>
        %dma_wait3A_172 = tpu.memref_slice %arg3[%dma_wait3A_163, %add3A_160] : memref<2x320000xi32, #tpu.memory_space<hbm>> -> memref<1x128xi32, #tpu.memory_space<hbm>>
        %dma_wait3A_173 = tpu.memref_squeeze %dma_wait3A_172 : memref<1x128xi32, #tpu.memory_space<hbm>> -> memref<128xi32, #tpu.memory_space<hbm>>
        tpu.wait_dma2 semaphore(%arg9 : memref<!tpu.dma_semaphore, #tpu.memory_space<semaphore_mem>>) src(%dma_wait3A_173 : memref<128xi32, #tpu.memory_space<hbm>>) dst(%dma_wait3A_171 : memref<128xi32, #tpu.memory_space<vmem>>)
        %add3A_174 = arith.constant 2 : i32
        %add3A_175 = arith.addi %scan3A_96, %add3A_174 : i32
        %mul3A_176 = arith.constant 128 : i32
        %mul3A_177 = arith.muli %add3A_175, %mul3A_176 : i32
        %add3A_178 = arith.addi %mul3A_2, %mul3A_177 : i32
        %rem3A_179 = arith.constant 4 : i32
        %rem3A_180 = arith.remsi %add3A_175, %rem3A_179 : i32
        %add3A_181 = arith.constant 4 : i32
        %add3A_182 = arith.addi %add3A_181, %rem3A_180 : i32
        %dma_wait3A_183 = arith.constant 1 : i32
        %dma_wait3A_184 = arith.constant 0 : i32
        %dma_wait3A_185 = tpu.memref_slice %arg6[%add3A_182, %dma_wait3A_184] : memref<8x128xi32, #tpu.memory_space<vmem>> -> memref<1x128xi32, #tpu.memory_space<vmem>>
        %dma_wait3A_186 = tpu.memref_squeeze %dma_wait3A_185 : memref<1x128xi32, #tpu.memory_space<vmem>> -> memref<128xi32, #tpu.memory_space<vmem>>
        %dma_wait3A_187 = tpu.memref_slice %arg3[%dma_wait3A_183, %add3A_178] : memref<2x320000xi32, #tpu.memory_space<hbm>> -> memref<1x128xi32, #tpu.memory_space<hbm>>
        %dma_wait3A_188 = tpu.memref_squeeze %dma_wait3A_187 : memref<1x128xi32, #tpu.memory_space<hbm>> -> memref<128xi32, #tpu.memory_space<hbm>>
        %dma_wait3A_189 = arith.constant 0 : i32
        %dma_wait3A_190 = tpu.memref_slice %arg6[%add3A_182, %dma_wait3A_189] : memref<8x128xi32, #tpu.memory_space<vmem>> -> memref<1x128xi32, #tpu.memory_space<vmem>>
        %dma_wait3A_191 = tpu.memref_squeeze %dma_wait3A_190 : memref<1x128xi32, #tpu.memory_space<vmem>> -> memref<128xi32, #tpu.memory_space<vmem>>
        %dma_wait3A_192 = tpu.memref_slice %arg3[%dma_wait3A_183, %add3A_178] : memref<2x320000xi32, #tpu.memory_space<hbm>> -> memref<1x128xi32, #tpu.memory_space<hbm>>
        %dma_wait3A_193 = tpu.memref_squeeze %dma_wait3A_192 : memref<1x128xi32, #tpu.memory_space<hbm>> -> memref<128xi32, #tpu.memory_space<hbm>>
        tpu.wait_dma2 semaphore(%arg10 : memref<!tpu.dma_semaphore, #tpu.memory_space<semaphore_mem>>) src(%dma_wait3A_193 : memref<128xi32, #tpu.memory_space<hbm>>) dst(%dma_wait3A_191 : memref<128xi32, #tpu.memory_space<vmem>>)
      } else {
      }
      %rem3A_119 = arith.constant 4 : i32
      %rem3A_120 = arith.remsi %scan3A_96, %rem3A_119 : i32
      %rem3A_121 = arith.constant 3 : i32
      %rem3A_122 = arith.remsi %scan3A_96, %rem3A_121 : i32
      %dma_wait3A_123 = arith.constant 0 : i32
      %dma_wait3A_124 = arith.constant 0 : i32
      %dma_wait3A_125 = tpu.memref_slice %arg7[%rem3A_122, %dma_wait3A_123, %dma_wait3A_124] : memref<3x128x128xf32, #tpu.memory_space<vmem>> -> memref<1x128x128xf32, #tpu.memory_space<vmem>>
      %dma_wait3A_126 = tpu.memref_squeeze %dma_wait3A_125 : memref<1x128x128xf32, #tpu.memory_space<vmem>> -> memref<128x128xf32, #tpu.memory_space<vmem>>
      %dma_wait3A_127 = arith.constant 0 : i32
      %dma_wait3A_128 = tpu.memref_slice %arg6[%rem3A_120, %dma_wait3A_127] : memref<8x128xi32, #tpu.memory_space<vmem>> -> memref<1x128xi32, #tpu.memory_space<vmem>>
      %dma_wait3A_129 = tpu.memref_squeeze %dma_wait3A_128 : memref<1x128xi32, #tpu.memory_space<vmem>> -> memref<128xi32, #tpu.memory_space<vmem>>
      %dma_wait3A_130 = arith.constant 0 : i32
      %dma_wait3A_131 = arith.constant 0 : i32
      %dma_wait3A_132 = tpu.memref_slice %arg2[%dma_wait3A_130, %dma_wait3A_131] : memref<10000x128xf32, #tpu.memory_space<hbm>> -> memref<10000x128xf32, #tpu.memory_space<hbm>>
      tpu.wait_indirect_dma semaphore(%arg11 : memref<!tpu.dma_semaphore, #tpu.memory_space<semaphore_mem>>) src(%dma_wait3A_132 : memref<10000x128xf32, #tpu.memory_space<hbm>>) dst(%dma_wait3A_126 : memref<128x128xf32, #tpu.memory_space<vmem>>)
      %add3A_133 = arith.constant 2 : i32
      %add3A_134 = arith.addi %scan3A_96, %add3A_133 : i32
      %lt3A_135 = arith.constant 78 : i32
      %lt3A_136 = arith.cmpi slt, %add3A_134, %lt3A_135 : i32
      %convert_element_type3A_137 = arith.extui %lt3A_136 : i1 to i32
      %cond3A_138 = arith.constant 0 : i32
      %cond3A_139 = arith.cmpi ne, %convert_element_type3A_137, %cond3A_138 : i32
      scf.if %cond3A_139 {
        %add3A_156 = arith.constant 2 : i32
        %add3A_157 = arith.addi %scan3A_96, %add3A_156 : i32
        %rem3A_158 = arith.constant 4 : i32
        %rem3A_159 = arith.remsi %add3A_157, %rem3A_158 : i32
        %rem3A_160 = arith.constant 3 : i32
        %rem3A_161 = arith.remsi %add3A_157, %rem3A_160 : i32
        %dma_start3A_162 = arith.constant 0 : i32
        %dma_start3A_163 = arith.constant 0 : i32
        %dma_start3A_164 = tpu.memref_slice %arg7[%rem3A_161, %dma_start3A_162, %dma_start3A_163] : memref<3x128x128xf32, #tpu.memory_space<vmem>> -> memref<1x128x128xf32, #tpu.memory_space<vmem>>
        %dma_start3A_165 = tpu.memref_squeeze %dma_start3A_164 : memref<1x128x128xf32, #tpu.memory_space<vmem>> -> memref<128x128xf32, #tpu.memory_space<vmem>>
        %dma_start3A_166 = arith.constant 0 : i32
        %dma_start3A_167 = tpu.memref_slice %arg6[%rem3A_159, %dma_start3A_166] : memref<8x128xi32, #tpu.memory_space<vmem>> -> memref<1x128xi32, #tpu.memory_space<vmem>>
        %dma_start3A_168 = tpu.memref_squeeze %dma_start3A_167 : memref<1x128xi32, #tpu.memory_space<vmem>> -> memref<128xi32, #tpu.memory_space<vmem>>
        %dma_start3A_169 = arith.constant 0 : i32
        %dma_start3A_170 = arith.constant 0 : i32
        %dma_start3A_171 = tpu.memref_slice %arg2[%dma_start3A_169, %dma_start3A_170] : memref<10000x128xf32, #tpu.memory_space<hbm>> -> memref<10000x128xf32, #tpu.memory_space<hbm>>
        tpu.enqueue_indirect_dma source(%dma_start3A_171 : memref<10000x128xf32, #tpu.memory_space<hbm>>) target(%dma_start3A_165 : memref<128x128xf32, #tpu.memory_space<vmem>>) offsets(%dma_start3A_168 : memref<128xi32, #tpu.memory_space<vmem>>) semaphore(%arg11 : memref<!tpu.dma_semaphore, #tpu.memory_space<semaphore_mem>>)
      } else {
      }
      %rem3A_140 = arith.constant 3 : i32
      %rem3A_141 = arith.remsi %scan3A_96, %rem3A_140 : i32
      %rem3A_142 = arith.constant 4 : i32
      %rem3A_143 = arith.remsi %scan3A_96, %rem3A_142 : i32
      %add3A_144 = arith.constant 4 : i32
      %add3A_145 = arith.addi %add3A_144, %rem3A_143 : i32
      %dma_start3A_146 = arith.constant 0 : i32
      %dma_start3A_147 = arith.constant 0 : i32
      %dma_start3A_148 = tpu.memref_slice %arg7[%rem3A_141, %dma_start3A_146, %dma_start3A_147] : memref<3x128x128xf32, #tpu.memory_space<vmem>> -> memref<1x128x128xf32, #tpu.memory_space<vmem>>
      %dma_start3A_149 = tpu.memref_squeeze %dma_start3A_148 : memref<1x128x128xf32, #tpu.memory_space<vmem>> -> memref<128x128xf32, #tpu.memory_space<vmem>>
      %dma_start3A_150 = arith.constant 0 : i32
      %dma_start3A_151 = tpu.memref_slice %arg6[%add3A_145, %dma_start3A_150] : memref<8x128xi32, #tpu.memory_space<vmem>> -> memref<1x128xi32, #tpu.memory_space<vmem>>
      %dma_start3A_152 = tpu.memref_squeeze %dma_start3A_151 : memref<1x128xi32, #tpu.memory_space<vmem>> -> memref<128xi32, #tpu.memory_space<vmem>>
      %dma_start3A_153 = arith.constant 0 : i32
      %dma_start3A_154 = arith.constant 0 : i32
      %dma_start3A_155 = tpu.memref_slice %arg8[%dma_start3A_153, %dma_start3A_154] : memref<10000x128xf32, #tpu.memory_space<vmem_shared>> -> memref<10000x128xf32, #tpu.memory_space<vmem_shared>>
      tpu.enqueue_indirect_dma source(%dma_start3A_149 : memref<128x128xf32, #tpu.memory_space<vmem>>) target(%dma_start3A_155 : memref<10000x128xf32, #tpu.memory_space<vmem_shared>>) offsets(%dma_start3A_152 : memref<128xi32, #tpu.memory_space<vmem>>) semaphore(%arg12 : memref<!tpu.dma_semaphore, #tpu.memory_space<semaphore_mem>>) {add = true}
    }
    %scan3A_64 = arith.constant 78 : i32
    %rem3A_65 = arith.constant 77 : i32
    %rem3A_66 = arith.constant 3 : i32
    %rem3A_67 = arith.remsi %rem3A_65, %rem3A_66 : i32
    %rem3A_68 = arith.constant 77 : i32
    %rem3A_69 = arith.constant 4 : i32
    %rem3A_70 = arith.remsi %rem3A_68, %rem3A_69 : i32
    %add3A_71 = arith.constant 4 : i32
    %add3A_72 = arith.addi %add3A_71, %rem3A_70 : i32
    %dma_wait3A = arith.constant 0 : i32
    %dma_wait3A_73 = arith.constant 0 : i32
    %dma_wait3A_74 = tpu.memref_slice %arg7[%rem3A_67, %dma_wait3A, %dma_wait3A_73] : memref<3x128x128xf32, #tpu.memory_space<vmem>> -> memref<1x128x128xf32, #tpu.memory_space<vmem>>
    %dma_wait3A_75 = tpu.memref_squeeze %dma_wait3A_74 : memref<1x128x128xf32, #tpu.memory_space<vmem>> -> memref<128x128xf32, #tpu.memory_space<vmem>>
    %dma_wait3A_76 = arith.constant 0 : i32
    %dma_wait3A_77 = tpu.memref_slice %arg6[%add3A_72, %dma_wait3A_76] : memref<8x128xi32, #tpu.memory_space<vmem>> -> memref<1x128xi32, #tpu.memory_space<vmem>>
    %dma_wait3A_78 = tpu.memref_squeeze %dma_wait3A_77 : memref<1x128xi32, #tpu.memory_space<vmem>> -> memref<128xi32, #tpu.memory_space<vmem>>
    %dma_wait3A_79 = arith.constant 0 : i32
    %dma_wait3A_80 = arith.constant 0 : i32
    %dma_wait3A_81 = tpu.memref_slice %arg8[%dma_wait3A_79, %dma_wait3A_80] : memref<10000x128xf32, #tpu.memory_space<vmem_shared>> -> memref<10000x128xf32, #tpu.memory_space<vmem_shared>>
    tpu.wait_indirect_dma semaphore(%arg12 : memref<!tpu.dma_semaphore, #tpu.memory_space<semaphore_mem>>) src(%dma_wait3A_75 : memref<128x128xf32, #tpu.memory_space<vmem>>) dst(%dma_wait3A_81 : memref<10000x128xf32, #tpu.memory_space<vmem_shared>>)
    %lt3A = arith.constant 2 : i32
    %lt3A_82 = arith.cmpi slt, %arg1, %lt3A : i32
    %convert_element_type3A_83 = arith.extui %lt3A_82 : i1 to i32
    %cond3A_84 = arith.constant 0 : i32
    %cond3A_85 = arith.cmpi ne, %convert_element_type3A_83, %cond3A_84 : i32
    scf.if %cond3A_85 {
      %mul3A_96 = arith.constant 2 : i32
      %mul3A_97 = arith.muli %arg0, %mul3A_96 : i32
      %add3A_98 = arith.addi %mul3A_97, %arg1 : i32
      %mul3A_99 = arith.constant 128 : i32
      %mul3A_100 = arith.muli %add3A_98, %mul3A_99 : i32
      %add3A_101 = arith.constant 319488 : i32
      %add3A_102 = arith.addi %add3A_101, %mul3A_100 : i32
      %run_scoped3A_103 = arith.constant 0 : i32
      %run_scoped3A_104 = arith.constant 0 : i32
      "tpu.region"() ({
        %run_scoped3A_161 = tpu.sem_alloc : memref<!tpu.dma_semaphore, #tpu.memory_space<semaphore_mem>>
        %dma_start3A_162 = arith.constant 0 : i32
        %dma_start3A_163 = tpu.memref_slice %arg6[%run_scoped3A_104, %dma_start3A_162] : memref<8x128xi32, #tpu.memory_space<vmem>> -> memref<1x128xi32, #tpu.memory_space<vmem>>
        %dma_start3A_164 = tpu.memref_squeeze %dma_start3A_163 : memref<1x128xi32, #tpu.memory_space<vmem>> -> memref<128xi32, #tpu.memory_space<vmem>>
        %dma_start3A_165 = tpu.memref_slice %arg3[%run_scoped3A_103, %add3A_102] : memref<2x320000xi32, #tpu.memory_space<hbm>> -> memref<1x128xi32, #tpu.memory_space<hbm>>
        %dma_start3A_166 = tpu.memref_squeeze %dma_start3A_165 : memref<1x128xi32, #tpu.memory_space<hbm>> -> memref<128xi32, #tpu.memory_space<hbm>>
        %dma_start3A_167 = arith.constant 0 : i32
        %dma_start3A_168 = tpu.memref_slice %arg6[%run_scoped3A_104, %dma_start3A_167] : memref<8x128xi32, #tpu.memory_space<vmem>> -> memref<1x128xi32, #tpu.memory_space<vmem>>
        %dma_start3A_169 = tpu.memref_squeeze %dma_start3A_168 : memref<1x128xi32, #tpu.memory_space<vmem>> -> memref<128xi32, #tpu.memory_space<vmem>>
        %dma_start3A_170 = tpu.memref_slice %arg3[%run_scoped3A_103, %add3A_102] : memref<2x320000xi32, #tpu.memory_space<hbm>> -> memref<1x128xi32, #tpu.memory_space<hbm>>
        %dma_start3A_171 = tpu.memref_squeeze %dma_start3A_170 : memref<1x128xi32, #tpu.memory_space<hbm>> -> memref<128xi32, #tpu.memory_space<hbm>>
        tpu.enqueue_dma source(%dma_start3A_171 : memref<128xi32, #tpu.memory_space<hbm>>) target(%dma_start3A_169 : memref<128xi32, #tpu.memory_space<vmem>>) target_semaphore(%run_scoped3A_161 : memref<!tpu.dma_semaphore, #tpu.memory_space<semaphore_mem>>)
        %dma_wait3A_172 = arith.constant 0 : i32
        %dma_wait3A_173 = tpu.memref_slice %arg6[%run_scoped3A_104, %dma_wait3A_172] : memref<8x128xi32, #tpu.memory_space<vmem>> -> memref<1x128xi32, #tpu.memory_space<vmem>>
        %dma_wait3A_174 = tpu.memref_squeeze %dma_wait3A_173 : memref<1x128xi32, #tpu.memory_space<vmem>> -> memref<128xi32, #tpu.memory_space<vmem>>
        %dma_wait3A_175 = tpu.memref_slice %arg3[%run_scoped3A_103, %add3A_102] : memref<2x320000xi32, #tpu.memory_space<hbm>> -> memref<1x128xi32, #tpu.memory_space<hbm>>
        %dma_wait3A_176 = tpu.memref_squeeze %dma_wait3A_175 : memref<1x128xi32, #tpu.memory_space<hbm>> -> memref<128xi32, #tpu.memory_space<hbm>>
        %dma_wait3A_177 = arith.constant 0 : i32
        %dma_wait3A_178 = tpu.memref_slice %arg6[%run_scoped3A_104, %dma_wait3A_177] : memref<8x128xi32, #tpu.memory_space<vmem>> -> memref<1x128xi32, #tpu.memory_space<vmem>>
        %dma_wait3A_179 = tpu.memref_squeeze %dma_wait3A_178 : memref<1x128xi32, #tpu.memory_space<vmem>> -> memref<128xi32, #tpu.memory_space<vmem>>
        %dma_wait3A_180 = tpu.memref_slice %arg3[%run_scoped3A_103, %add3A_102] : memref<2x320000xi32, #tpu.memory_space<hbm>> -> memref<1x128xi32, #tpu.memory_space<hbm>>
        %dma_wait3A_181 = tpu.memref_squeeze %dma_wait3A_180 : memref<1x128xi32, #tpu.memory_space<hbm>> -> memref<128xi32, #tpu.memory_space<hbm>>
        tpu.wait_dma2 semaphore(%run_scoped3A_161 : memref<!tpu.dma_semaphore, #tpu.memory_space<semaphore_mem>>) src(%dma_wait3A_181 : memref<128xi32, #tpu.memory_space<hbm>>) dst(%dma_wait3A_179 : memref<128xi32, #tpu.memory_space<vmem>>)
        tpu.yield
      }) : () -> ()
      %run_scoped3A_105 = arith.constant 1 : i32
      %run_scoped3A_106 = arith.constant 4 : i32
      "tpu.region"() ({
        %run_scoped3A_161 = tpu.sem_alloc : memref<!tpu.dma_semaphore, #tpu.memory_space<semaphore_mem>>
        %dma_start3A_162 = arith.constant 0 : i32
        %dma_start3A_163 = tpu.memref_slice %arg6[%run_scoped3A_106, %dma_start3A_162] : memref<8x128xi32, #tpu.memory_space<vmem>> -> memref<1x128xi32, #tpu.memory_space<vmem>>
        %dma_start3A_164 = tpu.memref_squeeze %dma_start3A_163 : memref<1x128xi32, #tpu.memory_space<vmem>> -> memref<128xi32, #tpu.memory_space<vmem>>
        %dma_start3A_165 = tpu.memref_slice %arg3[%run_scoped3A_105, %add3A_102] : memref<2x320000xi32, #tpu.memory_space<hbm>> -> memref<1x128xi32, #tpu.memory_space<hbm>>
        %dma_start3A_166 = tpu.memref_squeeze %dma_start3A_165 : memref<1x128xi32, #tpu.memory_space<hbm>> -> memref<128xi32, #tpu.memory_space<hbm>>
        %dma_start3A_167 = arith.constant 0 : i32
        %dma_start3A_168 = tpu.memref_slice %arg6[%run_scoped3A_106, %dma_start3A_167] : memref<8x128xi32, #tpu.memory_space<vmem>> -> memref<1x128xi32, #tpu.memory_space<vmem>>
        %dma_start3A_169 = tpu.memref_squeeze %dma_start3A_168 : memref<1x128xi32, #tpu.memory_space<vmem>> -> memref<128xi32, #tpu.memory_space<vmem>>
        %dma_start3A_170 = tpu.memref_slice %arg3[%run_scoped3A_105, %add3A_102] : memref<2x320000xi32, #tpu.memory_space<hbm>> -> memref<1x128xi32, #tpu.memory_space<hbm>>
        %dma_start3A_171 = tpu.memref_squeeze %dma_start3A_170 : memref<1x128xi32, #tpu.memory_space<hbm>> -> memref<128xi32, #tpu.memory_space<hbm>>
        tpu.enqueue_dma source(%dma_start3A_171 : memref<128xi32, #tpu.memory_space<hbm>>) target(%dma_start3A_169 : memref<128xi32, #tpu.memory_space<vmem>>) target_semaphore(%run_scoped3A_161 : memref<!tpu.dma_semaphore, #tpu.memory_space<semaphore_mem>>)
        %dma_wait3A_172 = arith.constant 0 : i32
        %dma_wait3A_173 = tpu.memref_slice %arg6[%run_scoped3A_106, %dma_wait3A_172] : memref<8x128xi32, #tpu.memory_space<vmem>> -> memref<1x128xi32, #tpu.memory_space<vmem>>
        %dma_wait3A_174 = tpu.memref_squeeze %dma_wait3A_173 : memref<1x128xi32, #tpu.memory_space<vmem>> -> memref<128xi32, #tpu.memory_space<vmem>>
        %dma_wait3A_175 = tpu.memref_slice %arg3[%run_scoped3A_105, %add3A_102] : memref<2x320000xi32, #tpu.memory_space<hbm>> -> memref<1x128xi32, #tpu.memory_space<hbm>>
        %dma_wait3A_176 = tpu.memref_squeeze %dma_wait3A_175 : memref<1x128xi32, #tpu.memory_space<hbm>> -> memref<128xi32, #tpu.memory_space<hbm>>
        %dma_wait3A_177 = arith.constant 0 : i32
        %dma_wait3A_178 = tpu.memref_slice %arg6[%run_scoped3A_106, %dma_wait3A_177] : memref<8x128xi32, #tpu.memory_space<vmem>> -> memref<1x128xi32, #tpu.memory_space<vmem>>
        %dma_wait3A_179 = tpu.memref_squeeze %dma_wait3A_178 : memref<1x128xi32, #tpu.memory_space<vmem>> -> memref<128xi32, #tpu.memory_space<vmem>>
        %dma_wait3A_180 = tpu.memref_slice %arg3[%run_scoped3A_105, %add3A_102] : memref<2x320000xi32, #tpu.memory_space<hbm>> -> memref<1x128xi32, #tpu.memory_space<hbm>>
        %dma_wait3A_181 = tpu.memref_squeeze %dma_wait3A_180 : memref<1x128xi32, #tpu.memory_space<hbm>> -> memref<128xi32, #tpu.memory_space<hbm>>
        tpu.wait_dma2 semaphore(%run_scoped3A_161 : memref<!tpu.dma_semaphore, #tpu.memory_space<semaphore_mem>>) src(%dma_wait3A_181 : memref<128xi32, #tpu.memory_space<hbm>>) dst(%dma_wait3A_179 : memref<128xi32, #tpu.memory_space<vmem>>)
        tpu.yield
      }) : () -> ()
      %dma_start3A_107 = arith.constant 0 : i32
      %dma_start3A_108 = arith.constant 0 : i32
      %dma_start3A_109 = arith.constant 0 : i32
      %dma_start3A_110 = arith.constant 0 : i32
      %dma_start3A_111 = tpu.memref_slice %arg7[%dma_start3A_108, %dma_start3A_109, %dma_start3A_110] : memref<3x128x128xf32, #tpu.memory_space<vmem>> -> memref<1x128x128xf32, #tpu.memory_space<vmem>>
      %dma_start3A_112 = tpu.memref_squeeze %dma_start3A_111 : memref<1x128x128xf32, #tpu.memory_space<vmem>> -> memref<128x128xf32, #tpu.memory_space<vmem>>
      %dma_start3A_113 = arith.constant 0 : i32
      %dma_start3A_114 = tpu.memref_slice %arg6[%dma_start3A_107, %dma_start3A_113] : memref<8x128xi32, #tpu.memory_space<vmem>> -> memref<1x128xi32, #tpu.memory_space<vmem>>
      %dma_start3A_115 = tpu.memref_squeeze %dma_start3A_114 : memref<1x128xi32, #tpu.memory_space<vmem>> -> memref<128xi32, #tpu.memory_space<vmem>>
      %dma_start3A_116 = arith.constant 0 : i32
      %dma_start3A_117 = arith.constant 0 : i32
      %dma_start3A_118 = tpu.memref_slice %arg2[%dma_start3A_116, %dma_start3A_117] : memref<10000x128xf32, #tpu.memory_space<hbm>> -> memref<10000x128xf32, #tpu.memory_space<hbm>>
      tpu.enqueue_indirect_dma source(%dma_start3A_118 : memref<10000x128xf32, #tpu.memory_space<hbm>>) target(%dma_start3A_112 : memref<128x128xf32, #tpu.memory_space<vmem>>) offsets(%dma_start3A_115 : memref<128xi32, #tpu.memory_space<vmem>>) semaphore(%arg11 : memref<!tpu.dma_semaphore, #tpu.memory_space<semaphore_mem>>)
      %dma_wait3A_119 = arith.constant 0 : i32
      %dma_wait3A_120 = arith.constant 0 : i32
      %dma_wait3A_121 = arith.constant 0 : i32
      %dma_wait3A_122 = arith.constant 0 : i32
      %dma_wait3A_123 = tpu.memref_slice %arg7[%dma_wait3A_120, %dma_wait3A_121, %dma_wait3A_122] : memref<3x128x128xf32, #tpu.memory_space<vmem>> -> memref<1x128x128xf32, #tpu.memory_space<vmem>>
      %dma_wait3A_124 = tpu.memref_squeeze %dma_wait3A_123 : memref<1x128x128xf32, #tpu.memory_space<vmem>> -> memref<128x128xf32, #tpu.memory_space<vmem>>
      %dma_wait3A_125 = arith.constant 0 : i32
      %dma_wait3A_126 = tpu.memref_slice %arg6[%dma_wait3A_119, %dma_wait3A_125] : memref<8x128xi32, #tpu.memory_space<vmem>> -> memref<1x128xi32, #tpu.memory_space<vmem>>
      %dma_wait3A_127 = tpu.memref_squeeze %dma_wait3A_126 : memref<1x128xi32, #tpu.memory_space<vmem>> -> memref<128xi32, #tpu.memory_space<vmem>>
      %dma_wait3A_128 = arith.constant 0 : i32
      %dma_wait3A_129 = arith.constant 0 : i32
      %dma_wait3A_130 = tpu.memref_slice %arg2[%dma_wait3A_128, %dma_wait3A_129] : memref<10000x128xf32, #tpu.memory_space<hbm>> -> memref<10000x128xf32, #tpu.memory_space<hbm>>
      tpu.wait_indirect_dma semaphore(%arg11 : memref<!tpu.dma_semaphore, #tpu.memory_space<semaphore_mem>>) src(%dma_wait3A_130 : memref<10000x128xf32, #tpu.memory_space<hbm>>) dst(%dma_wait3A_124 : memref<128x128xf32, #tpu.memory_space<vmem>>)
      %dma_start3A_131 = arith.constant 0 : i32
      %dma_start3A_132 = arith.constant 4 : i32
      %dma_start3A_133 = arith.constant 0 : i32
      %dma_start3A_134 = arith.constant 0 : i32
      %dma_start3A_135 = tpu.memref_slice %arg7[%dma_start3A_131, %dma_start3A_133, %dma_start3A_134] : memref<3x128x128xf32, #tpu.memory_space<vmem>> -> memref<1x128x128xf32, #tpu.memory_space<vmem>>
      %dma_start3A_136 = tpu.memref_squeeze %dma_start3A_135 : memref<1x128x128xf32, #tpu.memory_space<vmem>> -> memref<128x128xf32, #tpu.memory_space<vmem>>
      %dma_start3A_137 = arith.constant 0 : i32
      %dma_start3A_138 = tpu.memref_slice %arg6[%dma_start3A_132, %dma_start3A_137] : memref<8x128xi32, #tpu.memory_space<vmem>> -> memref<1x128xi32, #tpu.memory_space<vmem>>
      %dma_start3A_139 = tpu.memref_squeeze %dma_start3A_138 : memref<1x128xi32, #tpu.memory_space<vmem>> -> memref<128xi32, #tpu.memory_space<vmem>>
      %dma_start3A_140 = arith.constant 0 : i32
      %dma_start3A_141 = arith.constant 0 : i32
      %dma_start3A_142 = tpu.memref_slice %arg8[%dma_start3A_140, %dma_start3A_141] : memref<10000x128xf32, #tpu.memory_space<vmem_shared>> -> memref<10000x128xf32, #tpu.memory_space<vmem_shared>>
      tpu.enqueue_indirect_dma source(%dma_start3A_136 : memref<128x128xf32, #tpu.memory_space<vmem>>) target(%dma_start3A_142 : memref<10000x128xf32, #tpu.memory_space<vmem_shared>>) offsets(%dma_start3A_139 : memref<128xi32, #tpu.memory_space<vmem>>) semaphore(%arg12 : memref<!tpu.dma_semaphore, #tpu.memory_space<semaphore_mem>>) {add = true}
      %rem3A_143 = arith.constant 0 : i32
      %rem3A_144 = arith.constant 3 : i32
      %rem3A_145 = arith.remsi %rem3A_143, %rem3A_144 : i32
      %rem3A_146 = arith.constant 0 : i32
      %rem3A_147 = arith.constant 4 : i32
      %rem3A_148 = arith.remsi %rem3A_146, %rem3A_147 : i32
      %add3A_149 = arith.constant 4 : i32
      %add3A_150 = arith.addi %add3A_149, %rem3A_148 : i32
      %dma_wait3A_151 = arith.constant 0 : i32
      %dma_wait3A_152 = arith.constant 0 : i32
      %dma_wait3A_153 = tpu.memref_slice %arg7[%rem3A_145, %dma_wait3A_151, %dma_wait3A_152] : memref<3x128x128xf32, #tpu.memory_space<vmem>> -> memref<1x128x128xf32, #tpu.memory_space<vmem>>
      %dma_wait3A_154 = tpu.memref_squeeze %dma_wait3A_153 : memref<1x128x128xf32, #tpu.memory_space<vmem>> -> memref<128x128xf32, #tpu.memory_space<vmem>>
      %dma_wait3A_155 = arith.constant 0 : i32
      %dma_wait3A_156 = tpu.memref_slice %arg6[%add3A_150, %dma_wait3A_155] : memref<8x128xi32, #tpu.memory_space<vmem>> -> memref<1x128xi32, #tpu.memory_space<vmem>>
      %dma_wait3A_157 = tpu.memref_squeeze %dma_wait3A_156 : memref<1x128xi32, #tpu.memory_space<vmem>> -> memref<128xi32, #tpu.memory_space<vmem>>
      %dma_wait3A_158 = arith.constant 0 : i32
      %dma_wait3A_159 = arith.constant 0 : i32
      %dma_wait3A_160 = tpu.memref_slice %arg8[%dma_wait3A_158, %dma_wait3A_159] : memref<10000x128xf32, #tpu.memory_space<vmem_shared>> -> memref<10000x128xf32, #tpu.memory_space<vmem_shared>>
      tpu.wait_indirect_dma semaphore(%arg12 : memref<!tpu.dma_semaphore, #tpu.memory_space<semaphore_mem>>) src(%dma_wait3A_154 : memref<128x128xf32, #tpu.memory_space<vmem>>) dst(%dma_wait3A_160 : memref<10000x128xf32, #tpu.memory_space<vmem_shared>>)
    } else {
    }
    %barrier3A_86 = arith.constant 0 : index
    tpu.barrier barrier_id(%barrier3A_86)
    %mul3A_87 = arith.constant 624 : i32
    %mul3A_88 = arith.muli %arg1, %mul3A_87 : i32
    %mul3A_89 = arith.constant 624 : i32
    %mul3A_90 = arith.muli %arg1, %mul3A_89 : i32
    "tpu.region"() ({
      %run_scoped3A_96 = tpu.sem_alloc : memref<!tpu.dma_semaphore, #tpu.memory_space<semaphore_mem>>
      %dma_start3A_97 = arith.constant 0 : i32
      %dma_start3A_98 = tpu.memref_slice %arg5[%arg0, %mul3A_90, %dma_start3A_97] : memref<2x10000x128xf32, #tpu.memory_space<hbm>> -> memref<1x624x128xf32, #tpu.memory_space<hbm>>
      %dma_start3A_99 = tpu.memref_squeeze %dma_start3A_98 : memref<1x624x128xf32, #tpu.memory_space<hbm>> -> memref<624x128xf32, #tpu.memory_space<hbm>>
      %dma_start3A_100 = arith.constant 0 : i32
      %dma_start3A_101 = tpu.memref_slice %arg8[%mul3A_88, %dma_start3A_100] : memref<10000x128xf32, #tpu.memory_space<vmem_shared>> -> memref<624x128xf32, #tpu.memory_space<vmem_shared>>
      tpu.enqueue_dma source(%dma_start3A_101 : memref<624x128xf32, #tpu.memory_space<vmem_shared>>) target(%dma_start3A_99 : memref<624x128xf32, #tpu.memory_space<hbm>>) target_semaphore(%run_scoped3A_96 : memref<!tpu.dma_semaphore, #tpu.memory_space<semaphore_mem>>)
      %dma_wait3A_102 = arith.constant 0 : i32
      %dma_wait3A_103 = tpu.memref_slice %arg5[%arg0, %mul3A_90, %dma_wait3A_102] : memref<2x10000x128xf32, #tpu.memory_space<hbm>> -> memref<1x624x128xf32, #tpu.memory_space<hbm>>
      %dma_wait3A_104 = tpu.memref_squeeze %dma_wait3A_103 : memref<1x624x128xf32, #tpu.memory_space<hbm>> -> memref<624x128xf32, #tpu.memory_space<hbm>>
      %dma_wait3A_105 = arith.constant 0 : i32
      %dma_wait3A_106 = tpu.memref_slice %arg8[%mul3A_88, %dma_wait3A_105] : memref<10000x128xf32, #tpu.memory_space<vmem_shared>> -> memref<624x128xf32, #tpu.memory_space<vmem_shared>>
      tpu.wait_dma2 semaphore(%run_scoped3A_96 : memref<!tpu.dma_semaphore, #tpu.memory_space<semaphore_mem>>) src(%dma_wait3A_106 : memref<624x128xf32, #tpu.memory_space<vmem_shared>>) dst(%dma_wait3A_104 : memref<624x128xf32, #tpu.memory_space<hbm>>)
      tpu.yield
    }) : () -> ()
    %eq3A_91 = arith.constant 15 : i32
    %eq3A_92 = arith.cmpi eq, %arg1, %eq3A_91 : i32
    %convert_element_type3A_93 = arith.extui %eq3A_92 : i1 to i32
    %cond3A_94 = arith.constant 0 : i32
    %cond3A_95 = arith.cmpi ne, %convert_element_type3A_93, %cond3A_94 : i32
    scf.if %cond3A_95 {
      "tpu.region"() ({
        %run_scoped3A_96 = tpu.sem_alloc : memref<!tpu.dma_semaphore, #tpu.memory_space<semaphore_mem>>
        %dma_start3A_97 = arith.constant 9984 : i32
        %dma_start3A_98 = arith.constant 0 : i32
        %dma_start3A_99 = tpu.memref_slice %arg5[%arg0, %dma_start3A_97, %dma_start3A_98] : memref<2x10000x128xf32, #tpu.memory_space<hbm>> -> memref<1x16x128xf32, #tpu.memory_space<hbm>>
        %dma_start3A_100 = tpu.memref_squeeze %dma_start3A_99 : memref<1x16x128xf32, #tpu.memory_space<hbm>> -> memref<16x128xf32, #tpu.memory_space<hbm>>
        %dma_start3A_101 = arith.constant 9984 : i32
        %dma_start3A_102 = arith.constant 0 : i32
        %dma_start3A_103 = tpu.memref_slice %arg8[%dma_start3A_101, %dma_start3A_102] : memref<10000x128xf32, #tpu.memory_space<vmem_shared>> -> memref<16x128xf32, #tpu.memory_space<vmem_shared>>
        tpu.enqueue_dma source(%dma_start3A_103 : memref<16x128xf32, #tpu.memory_space<vmem_shared>>) target(%dma_start3A_100 : memref<16x128xf32, #tpu.memory_space<hbm>>) target_semaphore(%run_scoped3A_96 : memref<!tpu.dma_semaphore, #tpu.memory_space<semaphore_mem>>)
        %dma_wait3A_104 = arith.constant 9984 : i32
        %dma_wait3A_105 = arith.constant 0 : i32
        %dma_wait3A_106 = tpu.memref_slice %arg5[%arg0, %dma_wait3A_104, %dma_wait3A_105] : memref<2x10000x128xf32, #tpu.memory_space<hbm>> -> memref<1x16x128xf32, #tpu.memory_space<hbm>>
        %dma_wait3A_107 = tpu.memref_squeeze %dma_wait3A_106 : memref<1x16x128xf32, #tpu.memory_space<hbm>> -> memref<16x128xf32, #tpu.memory_space<hbm>>
        %dma_wait3A_108 = arith.constant 9984 : i32
        %dma_wait3A_109 = arith.constant 0 : i32
        %dma_wait3A_110 = tpu.memref_slice %arg8[%dma_wait3A_108, %dma_wait3A_109] : memref<10000x128xf32, #tpu.memory_space<vmem_shared>> -> memref<16x128xf32, #tpu.memory_space<vmem_shared>>
        tpu.wait_dma2 semaphore(%run_scoped3A_96 : memref<!tpu.dma_semaphore, #tpu.memory_space<semaphore_mem>>) src(%dma_wait3A_110 : memref<16x128xf32, #tpu.memory_space<vmem_shared>>) dst(%dma_wait3A_107 : memref<16x128xf32, #tpu.memory_space<hbm>>)
        tpu.yield
      }) : () -> ()
    } else {
    }
    return
  }
}

module attributes {stable_mosaic.version = 14 : i64} {
  func.func @body(%arg0: i32, %arg1: memref<1x2000x128xf32, #tpu.memory_space<vmem>>, %arg2: memref<1x2000x128xf32, #tpu.memory_space<vmem>>, %arg3: memref<128x128xf32, #tpu.memory_space<vmem>>, %arg4: memref<1x128xf32, #tpu.memory_space<vmem>>, %arg5: memref<2000x128xf32, #tpu.memory_space<vmem>>) attributes {dimension_semantics = [#tpu.dimension_semantics<arbitrary>], iteration_bounds = array<i64: 5>, scalar_prefetch = 0 : i64, scratch_operands = 0 : i64, tpu.core_type = #tpu.core_type<tc>, window_params = [{transform_indices = @transform_0, window_bounds = array<i64: 1, 2000, 128>}, {transform_indices = @transform_1, window_bounds = array<i64: 1, 2000, 128>}, {pipeline_mode = #tpu.pipeline_mode<synchronous>, transform_indices = @transform_2, window_bounds = array<i64: 128, 128>}, {pipeline_mode = #tpu.pipeline_mode<synchronous>, transform_indices = @transform_3, window_bounds = array<i64: 1, 128>}, {transform_indices = @transform_4, window_bounds = array<i64: 2000, 128>}]} {
    %get3A = arith.constant 0 : index
    %get3A_0 = arith.constant 0 : index
    %get3A_1 = arith.constant 0 : index
    %get3A_2 = vector.load %arg1[%get3A, %get3A_0, %get3A_1] : memref<1x2000x128xf32, #tpu.memory_space<vmem>>, vector<1x2000x128xf32>
    %get3A_3 = vector.shape_cast %get3A_2 : vector<1x2000x128xf32> to vector<2000x128xf32>
    %get3A_4 = arith.constant 0 : index
    %get3A_5 = arith.constant 0 : index
    %get3A_6 = arith.constant 0 : index
    %get3A_7 = vector.load %arg2[%get3A_4, %get3A_5, %get3A_6] : memref<1x2000x128xf32, #tpu.memory_space<vmem>>, vector<1x2000x128xf32>
    %get3A_8 = vector.shape_cast %get3A_7 : vector<1x2000x128xf32> to vector<2000x128xf32>
    %add3A = arith.addf %get3A_3, %get3A_8 : vector<2000x128xf32>
    %get3A_9 = arith.constant 0 : index
    %get3A_10 = arith.constant 0 : index
    %get3A_11 = vector.load %arg3[%get3A_9, %get3A_10] : memref<128x128xf32, #tpu.memory_space<vmem>>, vector<128x128xf32>
    %dot_general3A = arith.constant dense<0.000000e+00> : vector<2000x128xf32>
    %dot_general3A_12 = tpu.matmul %add3A, %get3A_11, %dot_general3A {dimension_numbers = #tpu.dot_dimension_numbers<[1], [0], [0], [1], [0, 0, 1, 1], [], []>, transpose_lhs_hint = false} : vector<2000x128xf32>, vector<128x128xf32>, vector<2000x128xf32> -> vector<2000x128xf32>
    %get3A_13 = arith.constant 0 : index
    %get3A_14 = arith.constant 0 : index
    %get3A_15 = vector.load %arg4[%get3A_13, %get3A_14] : memref<1x128xf32, #tpu.memory_space<vmem>>, vector<1x128xf32>
    %add3A_16 = vector.broadcast %get3A_15 : vector<1x128xf32> to vector<2000x128xf32>
    %add3A_17 = arith.addf %dot_general3A_12, %add3A_16 : vector<2000x128xf32>
    %max3A = arith.constant 0.000000e+00 : f32
    %max3A_18 = vector.broadcast %max3A : f32 to vector<2000x128xf32>
    %max3A_19 = arith.maximumf %add3A_17, %max3A_18 : vector<2000x128xf32>
    %swap3A = arith.constant 0 : index
    %swap3A_20 = arith.constant 0 : index
    %swap3A_21 = vector.load %arg5[%swap3A, %swap3A_20] : memref<2000x128xf32, #tpu.memory_space<vmem>>, vector<2000x128xf32>
    tpu.vector_store %arg5[%swap3A, %swap3A_20], %max3A_19 {strides = array<i32>} : memref<2000x128xf32, #tpu.memory_space<vmem>>, vector<2000x128xf32>,
    return
  }
  func.func @transform_0(%arg0: i32) -> (i32, i32, i32) {
    %c0_i32 = arith.constant 0 : i32
    %c0_i32_0 = arith.constant 0 : i32
    %c0_i32_1 = arith.constant 0 : i32
    return %c0_i32, %arg0, %c0_i32_0 : i32, i32, i32
  }
  func.func @transform_1(%arg0: i32) -> (i32, i32, i32) {
    %c1_i32 = arith.constant 1 : i32
    %c0_i32 = arith.constant 0 : i32
    %c0_i32_0 = arith.constant 0 : i32
    return %c1_i32, %arg0, %c0_i32 : i32, i32, i32
  }
  func.func @transform_2(%arg0: i32) -> (i32, i32) {
    %c0_i32 = arith.constant 0 : i32
    %c0_i32_0 = arith.constant 0 : i32
    %c0_i32_1 = arith.constant 0 : i32
    return %c0_i32, %c0_i32_0 : i32, i32
  }
  func.func @transform_3(%arg0: i32) -> (i32, i32) {
    %c0_i32 = arith.constant 0 : i32
    %c0_i32_0 = arith.constant 0 : i32
    %c0_i32_1 = arith.constant 0 : i32
    return %c0_i32, %c0_i32_0 : i32, i32
  }
  func.func @transform_4(%arg0: i32) -> (i32, i32) {
    %c0_i32 = arith.constant 0 : i32
    %c0_i32_0 = arith.constant 0 : i32
    return %arg0, %c0_i32 : i32, i32
  }
}

</mosaic_0001>

<sc_bundles>
// kernel: kernel.4.cloned.1.call-start
scs
__scs_entry_jumppad:
0x0: {  	(pc) =	sbr.rel $0x88, $3  }
0x1: {  	(tag) =	ssettag $0x0;
	lr =	simm.s32 $0x1  }
0x2: {  	[smem:$0x3F9D] =	sst lr;
	_ =	strace $0xD0000000  }
0x3: {  	_ = 	snop  }
0x4: {  	_ = 	snop  }
0x5: {  	_ = 	snop  }
0x6: {  	_ = 	snop  }
0x7: {  	_ = 	snop  }
__scs_overlays_trampoline_lowered:
0x8: {  	[smem:$0x3FAC] =	sst s0  }
0x9: {  	[smem:$0x3FAD] =	sst s1  }
0xa: {  	[smem:$0x3FAE] =	sst s2  }
0xb: {  	[smem:$0x3FAF] =	sst s3  }
0xc: {  	[smem:$0x3FB0] =	sst s4  }
0xd: {  	[smem:$0x3FB1] =	sst s5  }
0xe: {  	[smem:$0x3FB2] =	sst s6  }
0xf: {  	[smem:$0x3FB3] =	sst s7  }
0x10: {  	[smem:$0x3FB4] =	sst s8  }
0x11: {  	[smem:$0x3FB5] =	sst s9;
	s0 =	simm.s32 @!p0 $0x0  }
0x12: {  	s1 =	sld [smem:$0x3F9B];
	s0 =	simm.s32 @p0 $0x1  }
0x13: {  	[smem:$0x3FB6] =	sst s0;
	s0 =	simm.s32 @!p1 $0x0  }
0x14: {  	s2 =	sld [smem:$0x3F9A];
	s0 =	simm.s32 @p1 $0x1  }
0x15: {  	[smem:$0x3FB7] =	sst s0;
	s0 =	simm.s32 @!p2 $0x0  }
0x16: {  	s3 =	sld [smem:$0x3FDB];
	s0 =	simm.s32 @p2 $0x1  }
0x17: {  	s4 =	simm.s32 $0x1BF5;
	[smem:$0x3FB9] =	sst s0  }
0x18: {  	s0 =	sld [smem:$0x3F9C];
	_ =	swait.ge [sflag:s4], $0x0  }
0x19: {  	s7 =	sld [smem:$0x3F9D]  }
0x1a: {  	s8 =	sadd.s32 $0xFFFFE003, lr  }
0x1b: {  	s9 =	sadd.s32 $0xFFFFFEF7, lr;
	s5 =	simm.s32 $0xFFFFFFFF;
	p2 =	slt.u32 s8, $0xFFFFF086  }
0x1c: {  	p1 =	slt.u32 s9, $0xF7A;
	s5 =	simm.s32 @!p2 $0x0  }
0x1d: {  	s5 =	simm.s32 @p1 $0x1;
	p0 =	seq.s32 s7, s2  }
0x1e: {  	s7 =	smul.u32 @!p0 $0xF7A, s2;
	p2 =	seq.s32 @!p0 s5, $0x0  }
0x1f: {  	s9 =	smul.u32 $0xF7A, s1;
	s8 =	simm.s32 @!p0 $0x1BF5;
	p2 =	por !p2, p0  }
0x20: {  	[sflag:s8] =	ssyncset.s32 @!p0 $0xFFFFF086;
	s6 =	sadd.s32 @!p0 s3, s7;
	s7 =	simm.s32 @!p0 $0x108  }
0x21: {  	s3 =	sadd.s32 s3, s9;
	s6 =	sadd.s32 @!p0 $0x88, s6;
	s7 =	simm.s32 @p2 $0x1082  }
0x22: {  	[simem:s7], [sflag:s8] =	dma.local @!p0 [hbm:s6], $0xF7A  }
0x23: {  	s9 =	sor.u32 $0xD0000000, s2;
	s6 =	simm.s32 $0x108;
	_ =	swait.ge @!p0 [sflag:s8], $0x0  }
0x24: {  	s3 =	sadd.s32 $0x88, s3;
	s6 =	simm.s32 @!p1 $0x1082;
	[sflag:s4] =	ssyncset.s32 $0xFFFFF086  }
0x25: {  	[simem:s6], [sflag:s4] =	dma.local [hbm:s3], $0xF7A  }
0x26: {  	[smem:$0x3F9D] =	sst s1;
	(tag) =	ssettag s2;
	_ =	strace s9  }
0x27: {  	s1 =	sld [smem:$0x3FAD]  }
0x28: {  	s2 =	sld [smem:$0x3FAE]  }
0x29: {  	s4 =	sld [smem:$0x3FB0]  }
0x2a: {  	p0 =	seq.s32 s5, $0x0;
	s5 =	sld [smem:$0x3FB1]  }
0x2b: {  	s6 =	sld [smem:$0x3FB2]  }
0x2c: {  	s7 =	sld [smem:$0x3FB3]  }
0x2d: {  	s3 =	simm.s32 $0x108;
	s8 =	sld [smem:$0x3FB4]  }
0x2e: {  	s3 =	simm.s32 @!p0 $0x1082;
	s9 =	sld [smem:$0x3FB5]  }
0x2f: {  	lr =	sadd.s32 s0, s3;
	s0 =	sld [smem:$0x3FAC]  }
0x30: {  	s3 =	sld [smem:$0x3FAF]  }
0x31: {  	[smem:$0x3FB8] =	sst s10  }
0x32: {  	s10 =	sld [smem:$0x3FB6];
	_ =	sdelay $0x3  }
0x33: {  	p0 =	seq.s32 s10, $0x1;
	s10 =	sld [smem:$0x3FB8];
	_ =	sdelay $0x3  }
0x34: {  	[smem:$0x3FB8] =	sst s10  }
0x35: {  	s10 =	sld [smem:$0x3FB7];
	_ =	sdelay $0x3  }
0x36: {  	p1 =	seq.s32 s10, $0x1;
	s10 =	sld [smem:$0x3FB8];
	_ =	sdelay $0x3  }
0x37: {  	[smem:$0x3FB8] =	sst s10  }
0x38: {  	s10 =	sld [smem:$0x3FB9]  }
0x39: {  	_ = 	snop;
	(pc) =	sbr.ind lr, $3  }
0x3a: {  	_ = 	snop  }
0x3b: {  	_ = 	snop  }
0x3c: {  	p2 =	seq.s32 s10, $0x1;
	s10 =	sld [smem:$0x3FB8]  }
0x3d: {  	_ =	shalt  }
0x3e: {  	_ =	shalt  }
0x3f: {  	_ =	shalt  }
0x40: {  	_ =	shalt  }
0x41: {  	_ =	shalt  }
0x42: {  	_ =	shalt  }
0x43: {  	_ =	shalt  }
0x44: {  	_ =	shalt  }
0x45: {  	_ =	shalt  }
0x46: {  	_ =	shalt  }
0x47: {  	_ =	shalt  }
0x48: {  	_ =	shalt  }
0x49: {  	_ =	shalt  }
0x4a: {  	_ =	shalt  }
0x4b: {  	_ =	shalt  }
0x4c: {  	_ =	shalt  }
0x4d: {  	_ =	shalt  }
0x4e: {  	_ =	shalt  }
0x4f: {  	_ =	shalt  }
0x50: {  	_ =	shalt  }
0x51: {  	_ =	shalt  }
0x52: {  	_ =	shalt  }
0x53: {  	_ =	shalt  }
0x54: {  	_ =	shalt  }
0x55: {  	_ =	shalt  }
0x56: {  	_ =	shalt  }
0x57: {  	_ =	shalt  }
0x58: {  	_ =	shalt  }
0x59: {  	_ =	shalt  }
0x5a: {  	_ =	shalt  }
0x5b: {  	_ =	shalt  }
0x5c: {  	_ =	shalt  }
0x5d: {  	_ =	shalt  }
0x5e: {  	_ =	shalt  }
0x5f: {  	_ =	shalt  }
0x60: {  	_ =	shalt  }
0x61: {  	_ =	shalt  }
0x62: {  	_ =	shalt  }
0x63: {  	_ =	shalt  }
0x64: {  	_ =	shalt  }
0x65: {  	_ =	shalt  }
0x66: {  	_ =	shalt  }
0x67: {  	_ =	shalt  }
0x68: {  	_ =	shalt  }
0x69: {  	_ =	shalt  }
0x6a: {  	_ =	shalt  }
0x6b: {  	_ =	shalt  }
0x6c: {  	_ =	shalt  }
0x6d: {  	_ =	shalt  }
0x6e: {  	_ =	shalt  }
0x6f: {  	_ =	shalt  }
0x70: {  	_ =	shalt  }
0x71: {  	_ =	shalt  }
0x72: {  	_ =	shalt  }
0x73: {  	_ =	shalt  }
0x74: {  	_ =	shalt  }
0x75: {  	_ =	shalt  }
0x76: {  	_ =	shalt  }
0x77: {  	_ =	shalt  }
0x78: {  	_ =	shalt  }
0x79: {  	_ =	shalt  }
0x7a: {  	_ =	shalt  }
0x7b: {  	_ =	shalt  }
0x7c: {  	_ =	shalt  }
0x7d: {  	_ =	shalt  }
0x7e: {  	_ =	shalt  }
0x7f: {  	_ =	shalt  }
0x80: {  	_ =	shalt  }
0x81: {  	_ =	shalt  }
0x82: {  	_ =	shalt  }
0x83: {  	_ =	shalt  }
0x84: {  	_ =	shalt  }
0x85: {  	_ =	shalt  }
0x86: {  	_ =	shalt  }
0x87: {  	_ =	shalt  }
.Lfunc_end0:
.L_simem_size_0:
called_computation_lowered:
.L_overlay_start_0:
0x88: {  	s2 =	sld [smem:$0x3FD9]  }
0x89: {  	s3 =	sld [smem:$0x3FFE];
	_ =	sdelay $0x1  }
0x8a: {  	s1 =	srdreg.scid  }
0x8b: {  	s0 =	sand.u32 $0x1, s1  }
0x8c: {  	s17 =	sshll.u32 s0, $0xA;
	s2 =	sadd.s32 s3, s2  }
0x8d: {  	s2 =	sadd.s32 s2, s17  }
0x8e: {  	[smem:$0x3FC4] =	sst s2  }
0x8f: {  	_ = 	snop  }
0x90: {  	s2 =	sld [smem:$0x3FC9]  }
0x91: {  	s18 =	sld [smem:$0x3FC8]  }
0x92: {  	s4 =	sld [smem:$0x3FD0];
	(tm) =	ssettm $0x1  }
0x93: {  	s5 =	sld [smem:$0x3FFB];
	_ =	sdelay $0x3  }
0x94: {  	_ =	strace s5  }
0x95: {  	s5 =	sld [smem:$0x3FFC];
	_ =	sdelay $0x3  }
0x96: {  	_ =	strace s5  }
0x97: {  	s5 =	sld [smem:$0x3FFD];
	_ =	sdelay $0x3  }
0x98: {  	_ =	strace s5  }
0x99: {  	_ =	strace $0x8FFFFFFF  }
0x9a: {  	s19 =	sld [smem:$0x3FDB];
	_ =	sdelay $0x1  }
0x9b: {  	s6 =	simm.s32 $_scs_section_size  }
0x9c: {  	s7 =	simm.s32 $_size__tile_overlayer_lowered;
	s8 =	simm.s32 $_tile_overlayer_lowered  }
0x9d: {  	s22 =	simm.s32 $0x1BFF;
	s21 =	sshll.u32 s8, $0x1;
	s5 =	sadd.s32 s6, s19  }
0x9e: {  	s9 =	simm.s32 $0x0;
	s20 =	sshll.u32 s7, $0x1;
	s7 =	sadd.s32 s21, s5  }
0x9f: {  	[timem:s9], [sflag:s22] =	dma.local [hbm:s7], s20  }
0xa0: {  	_ =	swait.ge [sflag:s22], s20  }
0xa1: {  	s6 =	ssub.s32 $0x0, s20;
	[sflag:s22] =	ssyncset.done $0x0  }
0xa2: {  	[sflag:s22] =	ssyncadd.s32 s6;
	_ =	sdelay $0x1  }
0xa3: {  	s23 =	simm.s32 $0x1B8B  }
0xa4: {  	_ =	swait.ge [sflag:s23], $0x1  }
0xa5: {  	[sflag:s23] =	ssyncset.done $0x0  }
0xa6: {  	s25 =	simm.s32 $0x1B8E;
	s24 =	sld [smem:$0x3FFE];
	[sflag:s23] =	ssyncadd.s32 $0xFFFFFFFF  }
0xa7: {  	s26 =	simm.s32 $execute0_lowered;
	[smem:$0x3FD2] =	sst s25  }
0xa8: {  	s7 =	sshll.u32 s26, $0x1;
	_ =	strace $0x80000046;
	[dreg:$0x1] =	wrdreg $0xFFFFFFFF  }
0xa9: {  	s28 =	simm.s32 $_size_execute0_lowered;
	s5 =	sadd.s32 s5, s7;
	[dreg:$0x0] =	wrdreg $0x0  }
0xaa: {  	s7 =	sshll.u32 s28, $0x1;
	[dreg:$0x2] =	wrdreg s5  }
0xab: {  	[dreg:$0x3] =	wrdreg s7  }
0xac: {  	[dreg:$0x4] =	wrdreg $0xC0  }
0xad: {  	_ =	task [dreg:s9], $0x5FFFF  }
0xae: {  	[dreg:$0x1] =	wrdreg $0xFFFFFFFF  }
0xaf: {  	[dreg:$0x0] =	wrdreg $0x60  }
0xb0: {  	[dreg:$0x2] =	wrdreg s2  }
0xb1: {  	[dreg:$0x3] =	wrdreg s18  }
0xb2: {  	[dreg:$0x4] =	wrdreg s4  }
0xb3: {  	[dreg:$0x5] =	wrdreg s24  }
0xb4: {  	[dreg:$0x6] =	wrdreg $0xC4000  }
0xb5: {  	[dreg:$0x7] =	wrdreg $0x9  }
0xb6: {  	_ =	task.clear_ibuf [dreg:s9], $0x8FFFF;
	_ =	strace $0x90000046  }
0xb7: {  	s29 =	simm.s32 $0x9;
	_ =	strace $0x80000048  }
0xb8: {  	_ =	swait.ge [sflag:s29], $0x1  }
0xb9: {  	[sflag:s29] =	ssyncadd.s32 $0xFFFFFFFF  }
0xba: {  	_ =	strace $0x90000048  }
0xbb: {  	_ =	sfence  }
0xbc: {  	s30 =	sld [smem:$0x0];
	_ =	sdelay $0x2  }
0xbd: {  	s31 =	sshll.u32 s1, $0xD;
	s1 =	sshrl.u32 s1, $0x2  }
0xbe: {  	s3 =	sand.u32 $0x4000, s31;
	s1 =	sadd.s32 s1, s30  }
0xbf: {  	s0 =	sor.u32 s3, s0;
	s1 =	sshll.u32 s1, $0x11  }
0xc0: {  	s0 =	sor.u32 s1, s0  }
0xc1: {  	s0 =	sadd.s32 $0x8F2B, s0  }
0xc2: {  	[sflag:s0] =	ssyncadd.remote.s32 $0x1  }
0xc3: {  	_ =	sfence.sel $0xFFFF  }
0xc4: {  	[dreg:$0x0] =	wrdreg $0xFFFFFFFF;
	(pc) =	sbr.abs _section_cstart, $3  }
0xc5: {  	[dreg:$0x1] =	wrdreg $0xFFFFFFFF  }
0xc6: {  	_ =	task.clear_ibuf [dreg:s9], $0x2FFFF;
	_ =	strace $0x9FFFFFFF  }
0xc7: {  	(tm) =	ssettm $0x7FFFFFFF  }
tec
execute0_lowered:
.L_overlay_start_1:
0x0: {  	(tag) =	ssettag $0x1  }
0x1: {  	s0 =	rddreg [dreg:$0x0]  }
0x2: {  	s1 =	rddreg [dreg:$0x1];
	s3 =	srdreg.scid  }
0x3: {  	s6 =	rddreg [dreg:$0x3];
	s2 =	stileid.u32  }
0x4: {  	s4 =	rddreg [dreg:$0x4];
	s22 =	simm.s32 $0x80;
	s29 =	simm.s32 $0x3  }
0x5: {  	s30 =	simm.s32 $0x4;
	s31 =	simm.s32 $0x0;
	s12 =	smul.u32 $0x4E000, s2  }
0x6: {  	s3 =	sand.u32 $0x1, s3;
	s16 =	sadd.s32 $0xA00, s6;
	s19 =	smul.u32 $0x13800, s2  }
0x7: {  	s14 =	sshll.u32 s2, $0x5;
	s20 =	smul.u32 $0x9C0, s2;
	p0 =	sne.s32 s2, $0xF  }
0x8: {  	p1 =	sgt.u32 s2, $0x1;
	s5 =	sshll.u32 s3, $0x4;
	s17 =	smul.u32 $0x138800, s3  }
0x9: {  	s8 =	ssub.s32 $0x2, s3;
	s13 =	sshll.u32 s3, $0x6;
	s3 =	smul.u32 $0x9C00, s3  }
0xa: {  	s7 =	sor.u32 s2, s5;
	s5 =	simm.s32 $0x0;
	s9 =	sshrl.u32 s8, $0x1  }
0xb: {  	s12 =	sshrl.u32 s12, $0x2;
	s14 =	sadd.s32 s14, s13;
	s13 =	sadd.s32 $0x138000, s4  }
0xc: {  	s7 =	smul.u32 $0x4E00, s7;
	[smem:$0x7FF] =	sst s5;
	s18 =	ssub.s32 s8, s9  }
0xd: {  	s12 =	sadd.s32 s12, s4;
	s15 =	sadd.s32 s14, s1;
	s19 =	sadd.s32 s19, s17  }
0xe: {  	s17 =	sshrl.u32 s17, $0x3;
	_ =	strace $0x80000047;
	s14 =	sadd.s32 $0x13800, s15  }
0xf: {  	s15 =	sadd.s32 $0x13810, s15;
	s19 =	sshrl.u32 s19, $0x3;
	s17 =	sadd.s32 s16, s17  }
0x10: {  	s18 =	smax.u32 s18, $0x1;
	s7 =	sshrl.u32 s7, $0x3;
	s16 =	sadd.s32 s16, s19  }
0x11: {  	s17 =	sadd.s32 $0x27000, s17;
	s6 =	sadd.s32 s1, s7;
	s1 =	sadd.s32 s3, s1  }
0x12: {  	s7 =	sadd.s32 $0x10, s6;
	s8 =	sadd.s32 $0x20, s6;
	s9 =	sadd.s32 $0x30, s6  }
0x13: {  	s10 =	sadd.s32 $0x40, s6;
	s11 =	sadd.s32 $0x50, s6;
	s1 =	sadd.s32 s20, s1  }
0x14: {  	s20 =	simm.s32 $0x5;
	[dreg:$0x6] =	wrdreg s7;
	s23 =	sadd.s32 $0x70, s1  }
.LBB2_1:
0x15: {  	[tilespmem:s5], [sflag:$0x5] =	stream.linear.gather [hbm4b:s6+s5], $0x80, $0x38;
	[tilespmem:$0x1FC80] =	vst v63  }
0x16: {  	_ =	swait.ge [sflag:s20], $0x80  }
0x17: {  	[sflag:s20] =	ssyncset.done $0x0  }
0x18: {  	s2 =	simm.s32 $0x200;
	s1 =	rddreg [dreg:$0x6];
	[sflag:s20] =	ssyncadd.s32 $0xFFFFFF80  }
0x19: {  	[tilespmem:s2], [sflag:$0x5] =	stream.linear.gather [hbm4b:s1+s5], $0x80, $0x38;
	[tilespmem:$0x1FC80] =	vst v63  }
0x1a: {  	_ =	swait.ge [sflag:s20], $0x80  }
0x1b: {  	[sflag:s20] =	ssyncset.done $0x0  }
0x1c: {  	[sflag:s20] =	ssyncadd.s32 $0xFFFFFF80  }
0x1d: {  	[tilespmem:s22], [sflag:$0x5] =	stream.linear.gather [hbm4b:s8+s5], $0x80, $0x38;
	[tilespmem:$0x1FC80] =	vst v63  }
0x1e: {  	_ =	swait.ge [sflag:s20], $0x80  }
0x1f: {  	[sflag:s20] =	ssyncset.done $0x0  }
0x20: {  	s19 =	simm.s32 $0x280;
	[sflag:s20] =	ssyncadd.s32 $0xFFFFFF80  }
0x21: {  	[tilespmem:s19], [sflag:$0x5] =	stream.linear.gather [hbm4b:s9+s5], $0x80, $0x38;
	[tilespmem:$0x1FC80] =	vst v63  }
0x22: {  	_ =	swait.ge [sflag:s20], $0x80  }
0x23: {  	[sflag:s20] =	ssyncset.done $0x0  }
0x24: {  	s21 =	simm.s32 $0x100;
	[sflag:s20] =	ssyncadd.s32 $0xFFFFFF80  }
0x25: {  	[tilespmem:s21], [sflag:$0x5] =	stream.linear.gather [hbm4b:s10+s5], $0x80, $0x38;
	[tilespmem:$0x1FC80] =	vst v63  }
0x26: {  	_ =	swait.ge [sflag:s20], $0x80  }
0x27: {  	[sflag:s20] =	ssyncset.done $0x0  }
0x28: {  	s24 =	simm.s32 $0x300;
	[sflag:s20] =	ssyncadd.s32 $0xFFFFFF80  }
0x29: {  	[tilespmem:s24], [sflag:$0x5] =	stream.linear.gather [hbm4b:s11+s5], $0x80, $0x38;
	[tilespmem:$0x1FC80] =	vst v63  }
0x2a: {  	_ =	swait.ge [sflag:s20], $0x80  }
0x2b: {  	s25 =	simm.s32 $0x400;
	s28 =	stileid.u32;
	[sflag:s20] =	ssyncset.done $0x0  }
0x2c: {  	s26 =	simm.s32 $0x4400;
	s1 =	sshll.u32 s28, $0x6;
	[sflag:s20] =	ssyncadd.s32 $0xFFFFFF80  }
0x2d: {  	[tilespmem:s25], [sflag:$0x3] =	stream.indirect.gather [hbm4b:s0+s22], $0x80, s5, s22, $0xb8;
	[tilespmem:$0x1FC80] =	vst v63  }
0x2e: {  	s3 =	sor.u32 $0x1C05, s1;
	s1 =	sshrl.u32 s12, $0x3;
	s2 =	rddreg [dreg:$0x2]  }
0x2f: {  	[tilespmem:s26], [sflag:$0x3] =	stream.indirect.gather [hbm4b:s0+s22], $0x80, s22, s22, $0xb8;
	[tilespmem:$0x1FC80] =	vst v63  }
0x30: {  	[spmem:s1], [sflag:s3] =	dma.local [hbm:s2], $0x2700  }
0x31: {  	_ =	swait.ge [sflag:s20], $0x2700  }
0x32: {  	[sflag:s20] =	ssyncset.done $0x0  }
0x33: {  	s19 =	simm.s32 @!p0 $0x5;
	s21 =	sshrl.u32 @!p0 s13, $0x3;
	[sflag:s20] =	ssyncadd.s32 $0xFFFFD900  }
0x34: {  	[spmem:s21], [sflag:s3] =	dma.local @!p0 [hbm:s2], $0x100  }
0x35: {  	_ =	swait.ge @!p0 [sflag:s19], $0x100  }
0x36: {  	[sflag:s19] =	ssyncset.done @!p0 $0x0  }
0x37: {  	s24 =	simm.s32 $0x0;
	[sflag:s19] =	ssyncadd.s32 @!p0 $0xFFFFFF00  }
0x38: {  	s25 =	simm.s32 $0x0;
	s19 =	smov.u32 s23;
	[bflag:$0x0] =	sbarrier.arrive $0xFFFF  }
.LBB2_2:
0x39: {  	p2 =	seq.s32 s25, $0x0  }
0x3a: {  	s26 =	simm.s32 @!p2 $0x4  }
0x3b: {  	p3 =	sgt.u32 @!p2 s25, $0x4A;
	_ =	swait.ge @!p2 [sflag:s26], $0x4000  }
0x3c: {  	p3 =	por p2, !p3;
	[sflag:s26] =	ssyncset.done @!p2 $0x0  }
0x3d: {  	[sflag:s26] =	ssyncadd.s32 @!p2 $0xFFFFC000;
	s26 =	sadd.s32 @p3 $0x600, s24  }
0x3e: {  	s26 =	sand.u32 @p3 $0x600, s26  }
0x3f: {  	s28 =	sadd.s32 @p3 $0xFFFFFFF0, s19;
	s26 =	sshrl.u32 @p3 s26, $0x2  }
0x40: {  	[tilespmem:s26], [sflag:$0x1] =	stream.linear.gather @p3 [hbm4b:s28+s5], $0x80, $0x38;
	[tilespmem:$0x1FC80] =	vst v63  }
0x41: {  	s7 =	sadd.s32 $0xFFFFFFFF, s25;
	s2 =	smul.u32 $0xAB, s25;
	s26 =	sor.u32 @p3 $0x200, s26  }
0x42: {  	[tilespmem:s26], [sflag:$0x2] =	stream.linear.gather @p3 [hbm4b:s19+s5], $0x80, $0x38;
	[tilespmem:$0x1FC80] =	vst v63  }
0x43: {  	p2 =	sgt.u32 s25, $0x4B;
	p3 =	sgt.u32 s7, $0x4A;
	s26 =	sadd.s32 $0x2, s25  }
0x44: {  	s2 =	sshrl.u32 s2, $0x9;
	s28 =	simm.s32 @!p3 $0x1;
	s7 =	smul.u32 @!p2 $0xAB, s26  }
0x45: {  	s2 =	sand.u32 $0x7F, s2;
	_ =	swait.ge @!p3 [sflag:s28], $0x80  }
0x46: {  	s2 =	smul.u32 $0x3, s2;
	[sflag:s28] =	ssyncset.done @!p3 $0x0;
	s7 =	sshrl.u32 @!p2 s7, $0x9  }
0x47: {  	[sflag:s28] =	ssyncadd.s32 @!p3 $0xFFFFFF80;
	s28 =	simm.s32 @!p3 $0x2;
	s7 =	sand.u32 @!p2 $0x7F, s7  }
0x48: {  	_ =	swait.ge @!p3 [sflag:s28], $0x80;
	s7 =	smul.u32 @!p2 $0x3, s7  }
0x49: {  	s2 =	ssub.s32 s25, s2;
	s25 =	sadd.s32 $0x1, s25;
	[sflag:s28] =	ssyncset.done @!p3 $0x0  }
0x4a: {  	[sflag:s28] =	ssyncadd.s32 @!p3 $0xFFFFFF80;
	s7 =	ssub.s32 @!p2 s26, s7;
	s26 =	sadd.s32 @!p2 $0x400, s24  }
0x4b: {  	s28 =	simm.s32 @!p2 $0x80;
	_ =	swait.ge [sflag:s29], $0x4000;
	s7 =	sand.u32 @!p2 $0xFF, s7  }
0x4c: {  	s26 =	sand.u32 @!p2 $0x600, s26;
	[sflag:s29] =	ssyncset.done $0x0;
	s7 =	sshll.u32 @!p2 s7, $0xE  }
0x4d: {  	s26 =	sshrl.u32 @!p2 s26, $0x2;
	[sflag:s29] =	ssyncadd.s32 $0xFFFFC000;
	s7 =	sor.u32 @!p2 $0x400, s7  }
0x4e: {  	[tilespmem:s7], [sflag:$0x3] =	stream.indirect.gather @!p2 [hbm4b:s0+s28], $0x80, s26, s28, $0xb8;
	[tilespmem:$0x1FC80] =	vst v63  }
0x4f: {  	p2 =	sne.s32 s25, $0x4E  }
.Ltmp0:
0x50: {  	s2 =	sand.u32 $0xFF, s2;
	(pc) =	sbr.rel @p2 .LBB2_2-.Ltmp0, $4  }
0x51: {  	s2 =	sshll.u32 s2, $0xE;
	s28 =	sand.u32 $0x600, s24  }
0x52: {  	s2 =	sor.u32 $0x400, s2;
	s7 =	sshrl.u32 s28, $0x2  }
0x53: {  	s19 =	sadd.s32 $0x20, s19;
	s24 =	sadd.s32 $0x200, s24;
	s7 =	sor.u32 $0x200, s7  }
0x54: {  	[spmem:s4] =	stream.indirect.scatter.add.f32 [tilespmem:s2], [sflag:$0x4], $0x80, s7, s22, $0xb8;
	[tilespmem:$0x1FC80] =	vst v63  }
0x55: {  	_ =	swait.ge [sflag:s30], $0x4000  }
0x56: {  	[sflag:s30] =	ssyncset.done $0x0  }
0x57: {  	s2 =	simm.s32 @!p1 $0x0;
	s7 =	simm.s32 @!p1 $0x5;
	[sflag:s30] =	ssyncadd.s32 $0xFFFFC000  }
0x58: {  	[tilespmem:s2], [sflag:$0x5] =	stream.linear.gather @!p1 [hbm4b:s14+s2], $0x80, $0x38;
	[tilespmem:$0x1FC80] =	vst v63  }
0x59: {  	_ =	swait.ge @!p1 [sflag:s7], $0x80  }
0x5a: {  	[sflag:s7] =	ssyncset.done @!p1 $0x0  }
0x5b: {  	s19 =	simm.s32 @!p1 $0x200;
	[sflag:s7] =	ssyncadd.s32 @!p1 $0xFFFFFF80  }
0x5c: {  	[tilespmem:s19], [sflag:$0x5] =	stream.linear.gather @!p1 [hbm4b:s15+s2], $0x80, $0x38;
	[tilespmem:$0x1FC80] =	vst v63  }
0x5d: {  	_ =	swait.ge @!p1 [sflag:s7], $0x80  }
0x5e: {  	[sflag:s7] =	ssyncset.done @!p1 $0x0  }
0x5f: {  	s24 =	simm.s32 @!p1 $0x400;
	[sflag:s7] =	ssyncadd.s32 @!p1 $0xFFFFFF80;
	s7 =	simm.s32 @!p1 $0x80  }
0x60: {  	[tilespmem:s24], [sflag:$0x3] =	stream.indirect.gather @!p1 [hbm4b:s0+s7], $0x80, s2, s7, $0xb8;
	[tilespmem:$0x1FC80] =	vst v63  }
0x61: {  	s2 =	simm.s32 @!p1 $0x3  }
0x62: {  	_ =	swait.ge @!p1 [sflag:s2], $0x4000  }
0x63: {  	[sflag:s2] =	ssyncset.done @!p1 $0x0  }
0x64: {  	[sflag:s2] =	ssyncadd.s32 @!p1 $0xFFFFC000;
	s2 =	simm.s32 @!p1 $0x4  }
0x65: {  	[spmem:s4] =	stream.indirect.scatter.add.f32 @!p1 [tilespmem:s24], [sflag:$0x4], $0x80, s19, s7, $0xb8;
	[tilespmem:$0x1FC80] =	vst v63  }
0x66: {  	_ =	swait.ge @!p1 [sflag:s2], $0x4000  }
0x67: {  	[sflag:s2] =	ssyncset.done @!p1 $0x0  }
0x68: {  	[sflag:s2] =	ssyncadd.s32 @!p1 $0xFFFFC000  }
0x69: {  	[bflag:$0x0] =	sbarrier.arrive $0xFFFF  }
0x6a: {  	[hbm:s16], [sflag:s3] =	dma.local [spmem:s1], $0x2700  }
0x6b: {  	s31 =	sadd.s32 $0x1, s31;
	_ =	swait.ge [sflag:s20], $0x2700  }
0x6c: {  	p2 =	sne.s32 s31, s18;
	[sflag:s20] =	ssyncset.done $0x0  }
.Ltmp1:
0x6d: {  	s1 =	simm.s32 @!p0 $0x5;
	[sflag:s20] =	ssyncadd.s32 $0xFFFFD900;
	(pc) =	sbr.rel @p2 .LBB2_1-.Ltmp1, $4  }
0x6e: {  	[hbm:s17], [sflag:s3] =	dma.local @!p0 [spmem:s21], $0x100  }
0x6f: {  	_ =	swait.ge @!p0 [sflag:s1], $0x100  }
0x70: {  	[sflag:s1] =	ssyncset.done @!p0 $0x0  }
0x71: {  	[sflag:s1] =	ssyncadd.s32 @!p0 $0xFFFFFF00  }
0x72: {  	_ =	sfence.sel $0x180000  }
0x73: {  	[bflag:$0x0] =	sbarrier.arrive $0xFFFF  }
0x74: {  	_ =	strace $0x90000047  }
0x75: {  	s0 =	stileid.u32;
	[bflag:$0x2] =	sbarrier.arrive $0xFFFF  }
0x76: {  	p0 =	sne.s32 s0, $0x0;
	s0 =	rddreg [dreg:$0x5]  }
0x77: {  	s0 =	sadd.s32 @!p0 $0x100000, s0  }
0x78: {  	[sflag:s0] =	ssyncadd.tile.s32 @!p0 $0x1;
	_ =	shalt  }
.Lfunc_end2:
_tile_overlayer_lowered:
.L_overlay_start_2:
0x79: {  	(tag) =	ssettag $0x2  }
0x7a: {  	s0 =	rddreg [dreg:$0x0];
	s2 =	stileid.u32  }
0x7b: {  	s1 =	rddreg [dreg:$0x1];
	p0 =	sne.s32 s2, $0x0  }
0x7c: {  	s3 =	rddreg [dreg:$0x2];
	[bflag:$0x3] =	sbarrier.arrive $0xFFFF;
	s2 =	simm.s32 @!p0 $0x1C05  }
0x7d: {  	[timem:s3], [sflag:s2] =	dma.local @!p0 [hbm:s0], s1  }
0x7e: {  	s0 =	simm.s32 @!p0 $0x5  }
0x7f: {  	_ =	swait.ge @!p0 [sflag:s0], s1  }
0x80: {  	s1 =	ssub.s32 @!p0 $0x0, s1;
	[sflag:s0] =	ssyncset.done @!p0 $0x0  }
0x81: {  	[sflag:s0] =	ssyncadd.s32 @!p0 s1  }
0x82: {  	[bflag:$0x3] =	sbarrier.arrive $0xFFFF  }
0x83: {  	_ =	shalt  }

</sc_bundles>
